<compile_context>
chip_gen: v7x
topology: tpu7x:2x2x1
jax: 0.10.2.dev20260603
libtpu: 0.0.44.dev20260713+nightly
codegen_flags: <defaults>
</compile_context>

<pallas_src>
import functools

import jax
import jax.numpy as jnp
from jax import lax
from jax.experimental import pallas as pl
from jax.experimental.pallas import tpu as pltpu
from jax.experimental.pallas import tpu_sc as plsc

D = 128
NC = 2
NS = 16
NW = NC * NS
BLK = 128


def _sc_segment_sum(table_rows, acc_rows, nb0, nb1):
    nb = max(nb0, nb1)
    rpt = acc_rows // NS
    mesh = plsc.VectorSubcoreMesh(
        core_axis_name="c", subcore_axis_name="s", num_cores=NC, num_subcores=NS
    )

    @functools.partial(
        pl.kernel,
        out_type=jax.ShapeDtypeStruct((NC, acc_rows, D), jnp.float32),
        mesh=mesh,
        scratch_types=[
            pltpu.VMEM((nb, BLK), jnp.int32),
            pltpu.VMEM((nb, BLK), jnp.int32),
            pltpu.VMEM((BLK, D), jnp.float32),
            pltpu.VMEM_SHARED((acc_rows, D), jnp.float32),
            pltpu.SemaphoreType.DMA,
            pltpu.SemaphoreType.DMA,
        ],
    )
    def sc_kernel(tab_hbm, gidx_hbm, sidx_hbm, zeros_hbm, out_hbm,
                  gidx_v, sidx_v, rows_v, acc_s, gsem, ssem):
        c = lax.axis_index("c")
        s = lax.axis_index("s")
        wid = c * NS + s
        r0 = s * rpt
        pltpu.sync_copy(zeros_hbm.at[pl.ds(r0, rpt)], acc_s.at[pl.ds(r0, rpt)])
        pltpu.sync_copy(gidx_hbm.at[wid], gidx_v)
        pltpu.sync_copy(sidx_hbm.at[wid], sidx_v)
        plsc.subcore_barrier()

        def body(b, carry):
            pltpu.async_copy(tab_hbm.at[gidx_v.at[b]], rows_v, gsem).wait()
            pltpu.async_copy(rows_v, acc_s.at[sidx_v.at[b]], ssem, add=True).wait()
            return carry

        lax.fori_loop(0, jnp.where(c == 0, nb0, nb1), body, 0)
        plsc.subcore_barrier()
        pltpu.sync_copy(acc_s.at[pl.ds(r0, rpt)], out_hbm.at[c, pl.ds(r0, rpt)])

    return sc_kernel


def _dense_mid(p_ref, wlT_ref, bl_ref, whT_ref, wt_ref, cf_ref, y_ref):
    hc = p_ref[0] + p_ref[1]
    cembs = jnp.maximum(
        jnp.dot(hc, wlT_ref[...], preferred_element_type=jnp.float32)
        + bl_ref[...], 0.0)
    y_ref[...] = (
        jnp.dot(cembs, whT_ref[...], preferred_element_type=jnp.float32)
        + cf_ref[...] * wt_ref[...])


def _dense_out(p_ref, bo_ref, o_ref, n_out):
    o_ref[...] = jnp.maximum(p_ref[0, :n_out] + p_ref[1, :n_out] + bo_ref[...], 0.0)


def kernel(literal_feat, clause_feat, W_l2c, b_l2c, W_c2l, b_c2l, lit_idx, clause_idx):
    n_lit, _ = literal_feat.shape
    n_clause = clause_feat.shape[0]
    e = lit_idx.shape[0]

    c_pad = ((n_clause + 1 + NS * 8 - 1) // (NS * 8)) * (NS * 8)
    l_pad = ((n_lit + 1 + NS * 8 - 1) // (NS * 8)) * (NS * 8)

    def split_idx(idx, frac0, fill):
        tot = -(-e // BLK)
        nb0 = max(1, int(round(tot * frac0 / NS)))
        nb1 = -(-(tot - NS * nb0) // NS)
        nb_max = max(nb0, nb1)
        idx = idx.astype(jnp.int32)
        pad = NS * (nb0 + nb1) * BLK - e
        idxp = jnp.concatenate([idx, jnp.full((pad,), fill, jnp.int32)])
        h0 = idxp[:NS * nb0 * BLK].reshape(NS, nb0, BLK)
        h1 = idxp[NS * nb0 * BLK:].reshape(NS, nb1, BLK)
        f = jnp.full((NS, nb_max, BLK), fill, jnp.int32)
        h0 = jnp.concatenate([h0, f[:, nb0:]], axis=1)
        h1 = jnp.concatenate([h1, f[:, nb1:]], axis=1)
        return jnp.concatenate([h0, h1], axis=0), nb0, nb1

    F1, F2 = 0.58, 0.62
    li1, nb0_1, nb1_1 = split_idx(lit_idx, F1, n_lit)
    ci1, _, _ = split_idx(clause_idx, F1, n_clause)
    li2, nb0_2, nb1_2 = split_idx(lit_idx, F2, n_lit)
    ci2, _, _ = split_idx(clause_idx, F2, n_clause)

    lit_tab = jnp.concatenate(
        [literal_feat, jnp.zeros((16, D), jnp.float32)], axis=0)
    zeros = jnp.zeros((l_pad, D), jnp.float32)

    part_c = _sc_segment_sum(lit_tab.shape[0], c_pad, nb0_1, nb1_1)(
        lit_tab, li1, ci1, zeros)

    wlT = W_l2c.T
    whT = W_c2l[:, :D].T
    wt = W_c2l[:, D].reshape(1, D)
    cf = jnp.concatenate(
        [clause_feat.astype(jnp.float32),
         jnp.zeros((c_pad - n_clause, 1), jnp.float32)], axis=0)
    y = pl.pallas_call(
        _dense_mid,
        out_shape=jax.ShapeDtypeStruct((c_pad, D), jnp.float32),
    )(part_c, wlT, b_l2c.reshape(1, D), whT, wt, cf)

    part_l = _sc_segment_sum(c_pad, l_pad, nb0_2, nb1_2)(y, ci2, li2, zeros)

    lembs = pl.pallas_call(
        functools.partial(_dense_out, n_out=n_lit),
        out_shape=jax.ShapeDtypeStruct((n_lit, D), jnp.float32),
    )(part_l, b_c2l.reshape(1, D))
    return lembs

# --- scband reference (transcript-rebuilt; emitter-appended) ---
"""Pipeline reference for scband-cnflayer2-24507083391230 (READ-ONLY COPY).

The authoritative reference and input builder live on the scoring server;
editing this copy changes nothing except your own understanding.
"""

import jax, jax.numpy as jnp
import numpy as np

N_LIT = 10000
N_CLAUSE = 5000
E = 320000
IN_SIZE = 128
CLAUSE_SIZE = 128
OUT_SIZE = 128


def setup_inputs(seed: int = 0):
    key = jax.random.key(seed)
    ks = jax.random.split(key, 8)
    literal_feat = jax.random.normal(ks[0], (N_LIT, IN_SIZE), dtype=jnp.float32)
    clause_feat = jax.random.normal(ks[1], (N_CLAUSE, 1), dtype=jnp.float32)
    lit_idx = jax.random.randint(ks[2], (E,), 0, N_LIT)
    clause_idx = jax.random.randint(ks[3], (E,), 0, N_CLAUSE)
    W_l2c = jax.random.normal(ks[4], (CLAUSE_SIZE, IN_SIZE), dtype=jnp.float32) * (1.0 / np.sqrt(IN_SIZE))
    b_l2c = jnp.zeros((CLAUSE_SIZE,), dtype=jnp.float32)
    W_c2l = jax.random.normal(ks[5], (OUT_SIZE, CLAUSE_SIZE + 1), dtype=jnp.float32) * (1.0 / np.sqrt(CLAUSE_SIZE + 1))
    b_c2l = jnp.zeros((OUT_SIZE,), dtype=jnp.float32)
    return {
        'literal_feat': literal_feat,
        'clause_feat': clause_feat,
        'W_l2c': W_l2c,
        'b_l2c': b_l2c,
        'W_c2l': W_c2l,
        'b_c2l': b_c2l,
        'lit_idx': lit_idx,
        'clause_idx': clause_idx,
    }


def reference(literal_feat, clause_feat, W_l2c, b_l2c, W_c2l, b_c2l, lit_idx, clause_idx):
    n_clauses = clause_feat.shape[0]
    n_lits = literal_feat.shape[0]
    # l2c: message = raw literal features (note: original code stores feat_dict['literal'],
    # not the linear projection, as the message), sum-aggregated onto clauses
    msgs_l2c = jnp.take(literal_feat, lit_idx, axis=0)
    h_clause = jax.ops.segment_sum(msgs_l2c, clause_idx, num_segments=n_clauses)
    # clause embedding = relu(Linear_l2c(aggregated literal sums))
    cembs = jax.nn.relu(h_clause @ W_l2c.T + b_l2c)
    # c2l: message = concat([cembs, clause_feat]) along feature dim, sum-aggregated onto literals
    wh_c2l = jnp.concatenate([cembs, clause_feat], axis=1)
    msgs_c2l = jnp.take(wh_c2l, clause_idx, axis=0)
    h_lit = jax.ops.segment_sum(msgs_c2l, lit_idx, num_segments=n_lits)
    lembs = jax.nn.relu(h_lit @ W_c2l.T + b_c2l)
    return lembs

if __name__ == "__main__":
    import jax
    _d = setup_inputs()
    print(jax.jit(kernel)(*tuple(_d.values())))

</pallas_src>

<mosaic_0001>
#map = affine_map<(d0, d1) -> (0, 0)>
#map1 = affine_map<(d0, d1) -> (0, 0, 0)>
module attributes {stable_mosaic.version = 14 : i64} {
  func.func @sc_kernel(%arg0: i32, %arg1: i32, %arg2: memref<5120x128xf32, #tpu.memory_space<hbm>>, %arg3: memref<32x97x128xi32, #tpu.memory_space<hbm>>, %arg4: memref<32x97x128xi32, #tpu.memory_space<hbm>>, %arg5: memref<10112x128xf32, #tpu.memory_space<hbm>>, %arg6: memref<2x10112x128xf32, #tpu.memory_space<hbm>>, %arg7: memref<97x128xi32, #tpu.memory_space<vmem>>, %arg8: memref<97x128xi32, #tpu.memory_space<vmem>>, %arg9: memref<128x128xf32, #tpu.memory_space<vmem>>, %arg10: memref<10112x128xf32, #tpu.memory_space<vmem_shared>>, %arg11: memref<!tpu.dma_semaphore, #tpu.memory_space<semaphore_mem>>, %arg12: memref<!tpu.dma_semaphore, #tpu.memory_space<semaphore_mem>>) attributes {dimension_semantics = [#tpu.dimension_semantics<core_parallel>, #tpu.dimension_semantics<subcore_parallel>], iteration_bounds = array<i64: 2, 16>, scalar_prefetch = 0 : i64, scratch_operands = 6 : i64, tpu.core_type = #tpu.core_type<sc_vector_subcore>, window_params = [{transform_indices = #map}, {transform_indices = #map1}, {transform_indices = #map1}, {transform_indices = #map}, {transform_indices = #map1}]} {
    %mul3A = arith.constant 16 : i32
    %mul3A_0 = arith.muli %arg0, %mul3A : i32
    %add3A = arith.addi %mul3A_0, %arg1 : i32
    %mul3A_1 = arith.constant 632 : i32
    %mul3A_2 = arith.muli %arg1, %mul3A_1 : i32
    "tpu.region"() ({
      %run_scoped3A = tpu.sem_alloc : memref<!tpu.dma_semaphore, #tpu.memory_space<semaphore_mem>>
      %dma_start3A = arith.constant 0 : i32
      %dma_start3A_15 = tpu.memref_slice %arg10[%mul3A_2, %dma_start3A] : memref<10112x128xf32, #tpu.memory_space<vmem_shared>> -> memref<632x128xf32, #tpu.memory_space<vmem_shared>>
      %dma_start3A_16 = arith.constant 0 : i32
      %dma_start3A_17 = tpu.memref_slice %arg5[%mul3A_2, %dma_start3A_16] : memref<10112x128xf32, #tpu.memory_space<hbm>> -> memref<632x128xf32, #tpu.memory_space<hbm>>
      tpu.enqueue_dma source(%dma_start3A_17 : memref<632x128xf32, #tpu.memory_space<hbm>>) target(%dma_start3A_15 : memref<632x128xf32, #tpu.memory_space<vmem_shared>>) target_semaphore(%run_scoped3A : memref<!tpu.dma_semaphore, #tpu.memory_space<semaphore_mem>>)
      %dma_wait3A = arith.constant 0 : i32
      %dma_wait3A_18 = tpu.memref_slice %arg10[%mul3A_2, %dma_wait3A] : memref<10112x128xf32, #tpu.memory_space<vmem_shared>> -> memref<632x128xf32, #tpu.memory_space<vmem_shared>>
      %dma_wait3A_19 = arith.constant 0 : i32
      %dma_wait3A_20 = tpu.memref_slice %arg5[%mul3A_2, %dma_wait3A_19] : memref<10112x128xf32, #tpu.memory_space<hbm>> -> memref<632x128xf32, #tpu.memory_space<hbm>>
      tpu.wait_dma2 semaphore(%run_scoped3A : memref<!tpu.dma_semaphore, #tpu.memory_space<semaphore_mem>>) src(%dma_wait3A_20 : memref<632x128xf32, #tpu.memory_space<hbm>>) dst(%dma_wait3A_18 : memref<632x128xf32, #tpu.memory_space<vmem_shared>>)
      tpu.yield
    }) : () -> ()
    "tpu.region"() ({
      %run_scoped3A = tpu.sem_alloc : memref<!tpu.dma_semaphore, #tpu.memory_space<semaphore_mem>>
      %dma_start3A = arith.constant 0 : i32
      %dma_start3A_15 = arith.constant 0 : i32
      %dma_start3A_16 = tpu.memref_slice %arg3[%add3A, %dma_start3A, %dma_start3A_15] : memref<32x97x128xi32, #tpu.memory_space<hbm>> -> memref<1x97x128xi32, #tpu.memory_space<hbm>>
      %dma_start3A_17 = tpu.memref_squeeze %dma_start3A_16 : memref<1x97x128xi32, #tpu.memory_space<hbm>> -> memref<97x128xi32, #tpu.memory_space<hbm>>
      %dma_start3A_18 = arith.constant 0 : i32
      %dma_start3A_19 = arith.constant 0 : i32
      %dma_start3A_20 = tpu.memref_slice %arg3[%add3A, %dma_start3A_18, %dma_start3A_19] : memref<32x97x128xi32, #tpu.memory_space<hbm>> -> memref<1x97x128xi32, #tpu.memory_space<hbm>>
      %dma_start3A_21 = tpu.memref_squeeze %dma_start3A_20 : memref<1x97x128xi32, #tpu.memory_space<hbm>> -> memref<97x128xi32, #tpu.memory_space<hbm>>
      tpu.enqueue_dma source(%dma_start3A_21 : memref<97x128xi32, #tpu.memory_space<hbm>>) target(%arg7 : memref<97x128xi32, #tpu.memory_space<vmem>>) target_semaphore(%run_scoped3A : memref<!tpu.dma_semaphore, #tpu.memory_space<semaphore_mem>>)
      %dma_wait3A = arith.constant 0 : i32
      %dma_wait3A_22 = arith.constant 0 : i32
      %dma_wait3A_23 = tpu.memref_slice %arg3[%add3A, %dma_wait3A, %dma_wait3A_22] : memref<32x97x128xi32, #tpu.memory_space<hbm>> -> memref<1x97x128xi32, #tpu.memory_space<hbm>>
      %dma_wait3A_24 = tpu.memref_squeeze %dma_wait3A_23 : memref<1x97x128xi32, #tpu.memory_space<hbm>> -> memref<97x128xi32, #tpu.memory_space<hbm>>
      %dma_wait3A_25 = arith.constant 0 : i32
      %dma_wait3A_26 = arith.constant 0 : i32
      %dma_wait3A_27 = tpu.memref_slice %arg3[%add3A, %dma_wait3A_25, %dma_wait3A_26] : memref<32x97x128xi32, #tpu.memory_space<hbm>> -> memref<1x97x128xi32, #tpu.memory_space<hbm>>
      %dma_wait3A_28 = tpu.memref_squeeze %dma_wait3A_27 : memref<1x97x128xi32, #tpu.memory_space<hbm>> -> memref<97x128xi32, #tpu.memory_space<hbm>>
      tpu.wait_dma2 semaphore(%run_scoped3A : memref<!tpu.dma_semaphore, #tpu.memory_space<semaphore_mem>>) src(%dma_wait3A_28 : memref<97x128xi32, #tpu.memory_space<hbm>>) dst(%arg7 : memref<97x128xi32, #tpu.memory_space<vmem>>)
      tpu.yield
    }) : () -> ()
    "tpu.region"() ({
      %run_scoped3A = tpu.sem_alloc : memref<!tpu.dma_semaphore, #tpu.memory_space<semaphore_mem>>
      %dma_start3A = arith.constant 0 : i32
      %dma_start3A_15 = arith.constant 0 : i32
      %dma_start3A_16 = tpu.memref_slice %arg4[%add3A, %dma_start3A, %dma_start3A_15] : memref<32x97x128xi32, #tpu.memory_space<hbm>> -> memref<1x97x128xi32, #tpu.memory_space<hbm>>
      %dma_start3A_17 = tpu.memref_squeeze %dma_start3A_16 : memref<1x97x128xi32, #tpu.memory_space<hbm>> -> memref<97x128xi32, #tpu.memory_space<hbm>>
      %dma_start3A_18 = arith.constant 0 : i32
      %dma_start3A_19 = arith.constant 0 : i32
      %dma_start3A_20 = tpu.memref_slice %arg4[%add3A, %dma_start3A_18, %dma_start3A_19] : memref<32x97x128xi32, #tpu.memory_space<hbm>> -> memref<1x97x128xi32, #tpu.memory_space<hbm>>
      %dma_start3A_21 = tpu.memref_squeeze %dma_start3A_20 : memref<1x97x128xi32, #tpu.memory_space<hbm>> -> memref<97x128xi32, #tpu.memory_space<hbm>>
      tpu.enqueue_dma source(%dma_start3A_21 : memref<97x128xi32, #tpu.memory_space<hbm>>) target(%arg8 : memref<97x128xi32, #tpu.memory_space<vmem>>) target_semaphore(%run_scoped3A : memref<!tpu.dma_semaphore, #tpu.memory_space<semaphore_mem>>)
      %dma_wait3A = arith.constant 0 : i32
      %dma_wait3A_22 = arith.constant 0 : i32
      %dma_wait3A_23 = tpu.memref_slice %arg4[%add3A, %dma_wait3A, %dma_wait3A_22] : memref<32x97x128xi32, #tpu.memory_space<hbm>> -> memref<1x97x128xi32, #tpu.memory_space<hbm>>
      %dma_wait3A_24 = tpu.memref_squeeze %dma_wait3A_23 : memref<1x97x128xi32, #tpu.memory_space<hbm>> -> memref<97x128xi32, #tpu.memory_space<hbm>>
      %dma_wait3A_25 = arith.constant 0 : i32
      %dma_wait3A_26 = arith.constant 0 : i32
      %dma_wait3A_27 = tpu.memref_slice %arg4[%add3A, %dma_wait3A_25, %dma_wait3A_26] : memref<32x97x128xi32, #tpu.memory_space<hbm>> -> memref<1x97x128xi32, #tpu.memory_space<hbm>>
      %dma_wait3A_28 = tpu.memref_squeeze %dma_wait3A_27 : memref<1x97x128xi32, #tpu.memory_space<hbm>> -> memref<97x128xi32, #tpu.memory_space<hbm>>
      tpu.wait_dma2 semaphore(%run_scoped3A : memref<!tpu.dma_semaphore, #tpu.memory_space<semaphore_mem>>) src(%dma_wait3A_28 : memref<97x128xi32, #tpu.memory_space<hbm>>) dst(%arg8 : memref<97x128xi32, #tpu.memory_space<vmem>>)
      tpu.yield
    }) : () -> ()
    %barrier3A = arith.constant 0 : index
    tpu.barrier barrier_id(%barrier3A)
    %eq3A = arith.constant 0 : i32
    %eq3A_3 = arith.cmpi eq, %arg0, %eq3A : i32
    %jit3A = arith.constant 97 : i32
    %jit3A_4 = arith.constant 60 : i32
    %select_n3A = arith.select %eq3A_3, %jit3A, %jit3A_4 : i32
    %while3A = arith.constant 0 : i32
    %while3A_5 = arith.constant 0 : i32
    %while3A_6 = arith.subi %select_n3A, %while3A_5 : i32
    %while3A_7 = arith.addi %while3A_5, %while3A_6 : i32
    %while3A_8 = arith.constant 1 : i32
    %while3A_9 = arith.divsi %while3A_6, %while3A_8 : i32
    %while3A_10 = arith.muli %while3A_9, %while3A_8 : i32
    %while3A_11 = arith.addi %while3A_5, %while3A_10 : i32
    %while3A_12 = arith.constant 1 : i32
    scf.for %while3A_15 = %while3A_5 to %while3A_11 step %while3A_12  : i32 {
      %dma_start3A = arith.constant 0 : i32
      %dma_start3A_16 = tpu.memref_slice %arg7[%while3A_15, %dma_start3A] : memref<97x128xi32, #tpu.memory_space<vmem>> -> memref<1x128xi32, #tpu.memory_space<vmem>>
      %dma_start3A_17 = tpu.memref_squeeze %dma_start3A_16 : memref<1x128xi32, #tpu.memory_space<vmem>> -> memref<128xi32, #tpu.memory_space<vmem>>
      %dma_start3A_18 = arith.constant 0 : i32
      %dma_start3A_19 = arith.constant 0 : i32
      %dma_start3A_20 = tpu.memref_slice %arg2[%dma_start3A_18, %dma_start3A_19] : memref<5120x128xf32, #tpu.memory_space<hbm>> -> memref<5120x128xf32, #tpu.memory_space<hbm>>
      tpu.enqueue_indirect_dma source(%dma_start3A_20 : memref<5120x128xf32, #tpu.memory_space<hbm>>) target(%arg9 : memref<128x128xf32, #tpu.memory_space<vmem>>) offsets(%dma_start3A_17 : memref<128xi32, #tpu.memory_space<vmem>>) semaphore(%arg11 : memref<!tpu.dma_semaphore, #tpu.memory_space<semaphore_mem>>)
      %dma_wait3A = arith.constant 0 : i32
      %dma_wait3A_21 = tpu.memref_slice %arg7[%while3A_15, %dma_wait3A] : memref<97x128xi32, #tpu.memory_space<vmem>> -> memref<1x128xi32, #tpu.memory_space<vmem>>
      %dma_wait3A_22 = tpu.memref_squeeze %dma_wait3A_21 : memref<1x128xi32, #tpu.memory_space<vmem>> -> memref<128xi32, #tpu.memory_space<vmem>>
      %dma_wait3A_23 = arith.constant 0 : i32
      %dma_wait3A_24 = arith.constant 0 : i32
      %dma_wait3A_25 = tpu.memref_slice %arg2[%dma_wait3A_23, %dma_wait3A_24] : memref<5120x128xf32, #tpu.memory_space<hbm>> -> memref<5120x128xf32, #tpu.memory_space<hbm>>
      tpu.wait_indirect_dma semaphore(%arg11 : memref<!tpu.dma_semaphore, #tpu.memory_space<semaphore_mem>>) src(%dma_wait3A_25 : memref<5120x128xf32, #tpu.memory_space<hbm>>) dst(%arg9 : memref<128x128xf32, #tpu.memory_space<vmem>>)
      %dma_start3A_26 = arith.constant 0 : i32
      %dma_start3A_27 = tpu.memref_slice %arg8[%while3A_15, %dma_start3A_26] : memref<97x128xi32, #tpu.memory_space<vmem>> -> memref<1x128xi32, #tpu.memory_space<vmem>>
      %dma_start3A_28 = tpu.memref_squeeze %dma_start3A_27 : memref<1x128xi32, #tpu.memory_space<vmem>> -> memref<128xi32, #tpu.memory_space<vmem>>
      %dma_start3A_29 = arith.constant 0 : i32
      %dma_start3A_30 = arith.constant 0 : i32
      %dma_start3A_31 = tpu.memref_slice %arg10[%dma_start3A_29, %dma_start3A_30] : memref<10112x128xf32, #tpu.memory_space<vmem_shared>> -> memref<10112x128xf32, #tpu.memory_space<vmem_shared>>
      tpu.enqueue_indirect_dma source(%arg9 : memref<128x128xf32, #tpu.memory_space<vmem>>) target(%dma_start3A_31 : memref<10112x128xf32, #tpu.memory_space<vmem_shared>>) offsets(%dma_start3A_28 : memref<128xi32, #tpu.memory_space<vmem>>) semaphore(%arg12 : memref<!tpu.dma_semaphore, #tpu.memory_space<semaphore_mem>>) {add = true}
      %dma_wait3A_32 = arith.constant 0 : i32
      %dma_wait3A_33 = tpu.memref_slice %arg8[%while3A_15, %dma_wait3A_32] : memref<97x128xi32, #tpu.memory_space<vmem>> -> memref<1x128xi32, #tpu.memory_space<vmem>>
      %dma_wait3A_34 = tpu.memref_squeeze %dma_wait3A_33 : memref<1x128xi32, #tpu.memory_space<vmem>> -> memref<128xi32, #tpu.memory_space<vmem>>
      %dma_wait3A_35 = arith.constant 0 : i32
      %dma_wait3A_36 = arith.constant 0 : i32
      %dma_wait3A_37 = tpu.memref_slice %arg10[%dma_wait3A_35, %dma_wait3A_36] : memref<10112x128xf32, #tpu.memory_space<vmem_shared>> -> memref<10112x128xf32, #tpu.memory_space<vmem_shared>>
      tpu.wait_indirect_dma semaphore(%arg12 : memref<!tpu.dma_semaphore, #tpu.memory_space<semaphore_mem>>) src(%arg9 : memref<128x128xf32, #tpu.memory_space<vmem>>) dst(%dma_wait3A_37 : memref<10112x128xf32, #tpu.memory_space<vmem_shared>>)
    }
    %while3A_13 = arith.constant 1 : i32
    scf.for %while3A_15 = %while3A_11 to %while3A_7 step %while3A_13  : i32 {
      %dma_start3A = arith.constant 0 : i32
      %dma_start3A_16 = tpu.memref_slice %arg7[%while3A_15, %dma_start3A] : memref<97x128xi32, #tpu.memory_space<vmem>> -> memref<1x128xi32, #tpu.memory_space<vmem>>
      %dma_start3A_17 = tpu.memref_squeeze %dma_start3A_16 : memref<1x128xi32, #tpu.memory_space<vmem>> -> memref<128xi32, #tpu.memory_space<vmem>>
      %dma_start3A_18 = arith.constant 0 : i32
      %dma_start3A_19 = arith.constant 0 : i32
      %dma_start3A_20 = tpu.memref_slice %arg2[%dma_start3A_18, %dma_start3A_19] : memref<5120x128xf32, #tpu.memory_space<hbm>> -> memref<5120x128xf32, #tpu.memory_space<hbm>>
      tpu.enqueue_indirect_dma source(%dma_start3A_20 : memref<5120x128xf32, #tpu.memory_space<hbm>>) target(%arg9 : memref<128x128xf32, #tpu.memory_space<vmem>>) offsets(%dma_start3A_17 : memref<128xi32, #tpu.memory_space<vmem>>) semaphore(%arg11 : memref<!tpu.dma_semaphore, #tpu.memory_space<semaphore_mem>>)
      %dma_wait3A = arith.constant 0 : i32
      %dma_wait3A_21 = tpu.memref_slice %arg7[%while3A_15, %dma_wait3A] : memref<97x128xi32, #tpu.memory_space<vmem>> -> memref<1x128xi32, #tpu.memory_space<vmem>>
      %dma_wait3A_22 = tpu.memref_squeeze %dma_wait3A_21 : memref<1x128xi32, #tpu.memory_space<vmem>> -> memref<128xi32, #tpu.memory_space<vmem>>
      %dma_wait3A_23 = arith.constant 0 : i32
      %dma_wait3A_24 = arith.constant 0 : i32
      %dma_wait3A_25 = tpu.memref_slice %arg2[%dma_wait3A_23, %dma_wait3A_24] : memref<5120x128xf32, #tpu.memory_space<hbm>> -> memref<5120x128xf32, #tpu.memory_space<hbm>>
      tpu.wait_indirect_dma semaphore(%arg11 : memref<!tpu.dma_semaphore, #tpu.memory_space<semaphore_mem>>) src(%dma_wait3A_25 : memref<5120x128xf32, #tpu.memory_space<hbm>>) dst(%arg9 : memref<128x128xf32, #tpu.memory_space<vmem>>)
      %dma_start3A_26 = arith.constant 0 : i32
      %dma_start3A_27 = tpu.memref_slice %arg8[%while3A_15, %dma_start3A_26] : memref<97x128xi32, #tpu.memory_space<vmem>> -> memref<1x128xi32, #tpu.memory_space<vmem>>
      %dma_start3A_28 = tpu.memref_squeeze %dma_start3A_27 : memref<1x128xi32, #tpu.memory_space<vmem>> -> memref<128xi32, #tpu.memory_space<vmem>>
      %dma_start3A_29 = arith.constant 0 : i32
      %dma_start3A_30 = arith.constant 0 : i32
      %dma_start3A_31 = tpu.memref_slice %arg10[%dma_start3A_29, %dma_start3A_30] : memref<10112x128xf32, #tpu.memory_space<vmem_shared>> -> memref<10112x128xf32, #tpu.memory_space<vmem_shared>>
      tpu.enqueue_indirect_dma source(%arg9 : memref<128x128xf32, #tpu.memory_space<vmem>>) target(%dma_start3A_31 : memref<10112x128xf32, #tpu.memory_space<vmem_shared>>) offsets(%dma_start3A_28 : memref<128xi32, #tpu.memory_space<vmem>>) semaphore(%arg12 : memref<!tpu.dma_semaphore, #tpu.memory_space<semaphore_mem>>) {add = true}
      %dma_wait3A_32 = arith.constant 0 : i32
      %dma_wait3A_33 = tpu.memref_slice %arg8[%while3A_15, %dma_wait3A_32] : memref<97x128xi32, #tpu.memory_space<vmem>> -> memref<1x128xi32, #tpu.memory_space<vmem>>
      %dma_wait3A_34 = tpu.memref_squeeze %dma_wait3A_33 : memref<1x128xi32, #tpu.memory_space<vmem>> -> memref<128xi32, #tpu.memory_space<vmem>>
      %dma_wait3A_35 = arith.constant 0 : i32
      %dma_wait3A_36 = arith.constant 0 : i32
      %dma_wait3A_37 = tpu.memref_slice %arg10[%dma_wait3A_35, %dma_wait3A_36] : memref<10112x128xf32, #tpu.memory_space<vmem_shared>> -> memref<10112x128xf32, #tpu.memory_space<vmem_shared>>
      tpu.wait_indirect_dma semaphore(%arg12 : memref<!tpu.dma_semaphore, #tpu.memory_space<semaphore_mem>>) src(%arg9 : memref<128x128xf32, #tpu.memory_space<vmem>>) dst(%dma_wait3A_37 : memref<10112x128xf32, #tpu.memory_space<vmem_shared>>)
    }
    %barrier3A_14 = arith.constant 0 : index
    tpu.barrier barrier_id(%barrier3A_14)
    "tpu.region"() ({
      %run_scoped3A = tpu.sem_alloc : memref<!tpu.dma_semaphore, #tpu.memory_space<semaphore_mem>>
      %dma_start3A = arith.constant 0 : i32
      %dma_start3A_15 = tpu.memref_slice %arg6[%arg0, %mul3A_2, %dma_start3A] : memref<2x10112x128xf32, #tpu.memory_space<hbm>> -> memref<1x632x128xf32, #tpu.memory_space<hbm>>
      %dma_start3A_16 = tpu.memref_squeeze %dma_start3A_15 : memref<1x632x128xf32, #tpu.memory_space<hbm>> -> memref<632x128xf32, #tpu.memory_space<hbm>>
      %dma_start3A_17 = arith.constant 0 : i32
      %dma_start3A_18 = tpu.memref_slice %arg10[%mul3A_2, %dma_start3A_17] : memref<10112x128xf32, #tpu.memory_space<vmem_shared>> -> memref<632x128xf32, #tpu.memory_space<vmem_shared>>
      tpu.enqueue_dma source(%dma_start3A_18 : memref<632x128xf32, #tpu.memory_space<vmem_shared>>) target(%dma_start3A_16 : memref<632x128xf32, #tpu.memory_space<hbm>>) target_semaphore(%run_scoped3A : memref<!tpu.dma_semaphore, #tpu.memory_space<semaphore_mem>>)
      %dma_wait3A = arith.constant 0 : i32
      %dma_wait3A_19 = tpu.memref_slice %arg6[%arg0, %mul3A_2, %dma_wait3A] : memref<2x10112x128xf32, #tpu.memory_space<hbm>> -> memref<1x632x128xf32, #tpu.memory_space<hbm>>
      %dma_wait3A_20 = tpu.memref_squeeze %dma_wait3A_19 : memref<1x632x128xf32, #tpu.memory_space<hbm>> -> memref<632x128xf32, #tpu.memory_space<hbm>>
      %dma_wait3A_21 = arith.constant 0 : i32
      %dma_wait3A_22 = tpu.memref_slice %arg10[%mul3A_2, %dma_wait3A_21] : memref<10112x128xf32, #tpu.memory_space<vmem_shared>> -> memref<632x128xf32, #tpu.memory_space<vmem_shared>>
      tpu.wait_dma2 semaphore(%run_scoped3A : memref<!tpu.dma_semaphore, #tpu.memory_space<semaphore_mem>>) src(%dma_wait3A_22 : memref<632x128xf32, #tpu.memory_space<vmem_shared>>) dst(%dma_wait3A_20 : memref<632x128xf32, #tpu.memory_space<hbm>>)
      tpu.yield
    }) : () -> ()
    return
  }
}

#map = affine_map<(d0, d1) -> (0, 0)>
#map1 = affine_map<(d0, d1) -> (0, 0, 0)>
module attributes {stable_mosaic.version = 14 : i64} {
  func.func @sc_kernel(%arg0: i32, %arg1: i32, %arg2: memref<10016x128xf32, #tpu.memory_space<hbm>>, %arg3: memref<32x91x128xi32, #tpu.memory_space<hbm>>, %arg4: memref<32x91x128xi32, #tpu.memory_space<hbm>>, %arg5: memref<10112x128xf32, #tpu.memory_space<hbm>>, %arg6: memref<2x5120x128xf32, #tpu.memory_space<hbm>>, %arg7: memref<91x128xi32, #tpu.memory_space<vmem>>, %arg8: memref<91x128xi32, #tpu.memory_space<vmem>>, %arg9: memref<128x128xf32, #tpu.memory_space<vmem>>, %arg10: memref<5120x128xf32, #tpu.memory_space<vmem_shared>>, %arg11: memref<!tpu.dma_semaphore, #tpu.memory_space<semaphore_mem>>, %arg12: memref<!tpu.dma_semaphore, #tpu.memory_space<semaphore_mem>>) attributes {dimension_semantics = [#tpu.dimension_semantics<core_parallel>, #tpu.dimension_semantics<subcore_parallel>], iteration_bounds = array<i64: 2, 16>, scalar_prefetch = 0 : i64, scratch_operands = 6 : i64, tpu.core_type = #tpu.core_type<sc_vector_subcore>, window_params = [{transform_indices = #map}, {transform_indices = #map1}, {transform_indices = #map1}, {transform_indices = #map}, {transform_indices = #map1}]} {
    %mul3A = arith.constant 16 : i32
    %mul3A_0 = arith.muli %arg0, %mul3A : i32
    %add3A = arith.addi %mul3A_0, %arg1 : i32
    %mul3A_1 = arith.constant 320 : i32
    %mul3A_2 = arith.muli %arg1, %mul3A_1 : i32
    "tpu.region"() ({
      %run_scoped3A = tpu.sem_alloc : memref<!tpu.dma_semaphore, #tpu.memory_space<semaphore_mem>>
      %dma_start3A = arith.constant 0 : i32
      %dma_start3A_15 = tpu.memref_slice %arg10[%mul3A_2, %dma_start3A] : memref<5120x128xf32, #tpu.memory_space<vmem_shared>> -> memref<320x128xf32, #tpu.memory_space<vmem_shared>>
      %dma_start3A_16 = arith.constant 0 : i32
      %dma_start3A_17 = tpu.memref_slice %arg5[%mul3A_2, %dma_start3A_16] : memref<10112x128xf32, #tpu.memory_space<hbm>> -> memref<320x128xf32, #tpu.memory_space<hbm>>
      tpu.enqueue_dma source(%dma_start3A_17 : memref<320x128xf32, #tpu.memory_space<hbm>>) target(%dma_start3A_15 : memref<320x128xf32, #tpu.memory_space<vmem_shared>>) target_semaphore(%run_scoped3A : memref<!tpu.dma_semaphore, #tpu.memory_space<semaphore_mem>>)
      %dma_wait3A = arith.constant 0 : i32
      %dma_wait3A_18 = tpu.memref_slice %arg10[%mul3A_2, %dma_wait3A] : memref<5120x128xf32, #tpu.memory_space<vmem_shared>> -> memref<320x128xf32, #tpu.memory_space<vmem_shared>>
      %dma_wait3A_19 = arith.constant 0 : i32
      %dma_wait3A_20 = tpu.memref_slice %arg5[%mul3A_2, %dma_wait3A_19] : memref<10112x128xf32, #tpu.memory_space<hbm>> -> memref<320x128xf32, #tpu.memory_space<hbm>>
      tpu.wait_dma2 semaphore(%run_scoped3A : memref<!tpu.dma_semaphore, #tpu.memory_space<semaphore_mem>>) src(%dma_wait3A_20 : memref<320x128xf32, #tpu.memory_space<hbm>>) dst(%dma_wait3A_18 : memref<320x128xf32, #tpu.memory_space<vmem_shared>>)
      tpu.yield
    }) : () -> ()
    "tpu.region"() ({
      %run_scoped3A = tpu.sem_alloc : memref<!tpu.dma_semaphore, #tpu.memory_space<semaphore_mem>>
      %dma_start3A = arith.constant 0 : i32
      %dma_start3A_15 = arith.constant 0 : i32
      %dma_start3A_16 = tpu.memref_slice %arg3[%add3A, %dma_start3A, %dma_start3A_15] : memref<32x91x128xi32, #tpu.memory_space<hbm>> -> memref<1x91x128xi32, #tpu.memory_space<hbm>>
      %dma_start3A_17 = tpu.memref_squeeze %dma_start3A_16 : memref<1x91x128xi32, #tpu.memory_space<hbm>> -> memref<91x128xi32, #tpu.memory_space<hbm>>
      %dma_start3A_18 = arith.constant 0 : i32
      %dma_start3A_19 = arith.constant 0 : i32
      %dma_start3A_20 = tpu.memref_slice %arg3[%add3A, %dma_start3A_18, %dma_start3A_19] : memref<32x91x128xi32, #tpu.memory_space<hbm>> -> memref<1x91x128xi32, #tpu.memory_space<hbm>>
      %dma_start3A_21 = tpu.memref_squeeze %dma_start3A_20 : memref<1x91x128xi32, #tpu.memory_space<hbm>> -> memref<91x128xi32, #tpu.memory_space<hbm>>
      tpu.enqueue_dma source(%dma_start3A_21 : memref<91x128xi32, #tpu.memory_space<hbm>>) target(%arg7 : memref<91x128xi32, #tpu.memory_space<vmem>>) target_semaphore(%run_scoped3A : memref<!tpu.dma_semaphore, #tpu.memory_space<semaphore_mem>>)
      %dma_wait3A = arith.constant 0 : i32
      %dma_wait3A_22 = arith.constant 0 : i32
      %dma_wait3A_23 = tpu.memref_slice %arg3[%add3A, %dma_wait3A, %dma_wait3A_22] : memref<32x91x128xi32, #tpu.memory_space<hbm>> -> memref<1x91x128xi32, #tpu.memory_space<hbm>>
      %dma_wait3A_24 = tpu.memref_squeeze %dma_wait3A_23 : memref<1x91x128xi32, #tpu.memory_space<hbm>> -> memref<91x128xi32, #tpu.memory_space<hbm>>
      %dma_wait3A_25 = arith.constant 0 : i32
      %dma_wait3A_26 = arith.constant 0 : i32
      %dma_wait3A_27 = tpu.memref_slice %arg3[%add3A, %dma_wait3A_25, %dma_wait3A_26] : memref<32x91x128xi32, #tpu.memory_space<hbm>> -> memref<1x91x128xi32, #tpu.memory_space<hbm>>
      %dma_wait3A_28 = tpu.memref_squeeze %dma_wait3A_27 : memref<1x91x128xi32, #tpu.memory_space<hbm>> -> memref<91x128xi32, #tpu.memory_space<hbm>>
      tpu.wait_dma2 semaphore(%run_scoped3A : memref<!tpu.dma_semaphore, #tpu.memory_space<semaphore_mem>>) src(%dma_wait3A_28 : memref<91x128xi32, #tpu.memory_space<hbm>>) dst(%arg7 : memref<91x128xi32, #tpu.memory_space<vmem>>)
      tpu.yield
    }) : () -> ()
    "tpu.region"() ({
      %run_scoped3A = tpu.sem_alloc : memref<!tpu.dma_semaphore, #tpu.memory_space<semaphore_mem>>
      %dma_start3A = arith.constant 0 : i32
      %dma_start3A_15 = arith.constant 0 : i32
      %dma_start3A_16 = tpu.memref_slice %arg4[%add3A, %dma_start3A, %dma_start3A_15] : memref<32x91x128xi32, #tpu.memory_space<hbm>> -> memref<1x91x128xi32, #tpu.memory_space<hbm>>
      %dma_start3A_17 = tpu.memref_squeeze %dma_start3A_16 : memref<1x91x128xi32, #tpu.memory_space<hbm>> -> memref<91x128xi32, #tpu.memory_space<hbm>>
      %dma_start3A_18 = arith.constant 0 : i32
      %dma_start3A_19 = arith.constant 0 : i32
      %dma_start3A_20 = tpu.memref_slice %arg4[%add3A, %dma_start3A_18, %dma_start3A_19] : memref<32x91x128xi32, #tpu.memory_space<hbm>> -> memref<1x91x128xi32, #tpu.memory_space<hbm>>
      %dma_start3A_21 = tpu.memref_squeeze %dma_start3A_20 : memref<1x91x128xi32, #tpu.memory_space<hbm>> -> memref<91x128xi32, #tpu.memory_space<hbm>>
      tpu.enqueue_dma source(%dma_start3A_21 : memref<91x128xi32, #tpu.memory_space<hbm>>) target(%arg8 : memref<91x128xi32, #tpu.memory_space<vmem>>) target_semaphore(%run_scoped3A : memref<!tpu.dma_semaphore, #tpu.memory_space<semaphore_mem>>)
      %dma_wait3A = arith.constant 0 : i32
      %dma_wait3A_22 = arith.constant 0 : i32
      %dma_wait3A_23 = tpu.memref_slice %arg4[%add3A, %dma_wait3A, %dma_wait3A_22] : memref<32x91x128xi32, #tpu.memory_space<hbm>> -> memref<1x91x128xi32, #tpu.memory_space<hbm>>
      %dma_wait3A_24 = tpu.memref_squeeze %dma_wait3A_23 : memref<1x91x128xi32, #tpu.memory_space<hbm>> -> memref<91x128xi32, #tpu.memory_space<hbm>>
      %dma_wait3A_25 = arith.constant 0 : i32
      %dma_wait3A_26 = arith.constant 0 : i32
      %dma_wait3A_27 = tpu.memref_slice %arg4[%add3A, %dma_wait3A_25, %dma_wait3A_26] : memref<32x91x128xi32, #tpu.memory_space<hbm>> -> memref<1x91x128xi32, #tpu.memory_space<hbm>>
      %dma_wait3A_28 = tpu.memref_squeeze %dma_wait3A_27 : memref<1x91x128xi32, #tpu.memory_space<hbm>> -> memref<91x128xi32, #tpu.memory_space<hbm>>
      tpu.wait_dma2 semaphore(%run_scoped3A : memref<!tpu.dma_semaphore, #tpu.memory_space<semaphore_mem>>) src(%dma_wait3A_28 : memref<91x128xi32, #tpu.memory_space<hbm>>) dst(%arg8 : memref<91x128xi32, #tpu.memory_space<vmem>>)
      tpu.yield
    }) : () -> ()
    %barrier3A = arith.constant 0 : index
    tpu.barrier barrier_id(%barrier3A)
    %eq3A = arith.constant 0 : i32
    %eq3A_3 = arith.cmpi eq, %arg0, %eq3A : i32
    %jit3A = arith.constant 91 : i32
    %jit3A_4 = arith.constant 66 : i32
    %select_n3A = arith.select %eq3A_3, %jit3A, %jit3A_4 : i32
    %while3A = arith.constant 0 : i32
    %while3A_5 = arith.constant 0 : i32
    %while3A_6 = arith.subi %select_n3A, %while3A_5 : i32
    %while3A_7 = arith.addi %while3A_5, %while3A_6 : i32
    %while3A_8 = arith.constant 1 : i32
    %while3A_9 = arith.divsi %while3A_6, %while3A_8 : i32
    %while3A_10 = arith.muli %while3A_9, %while3A_8 : i32
    %while3A_11 = arith.addi %while3A_5, %while3A_10 : i32
    %while3A_12 = arith.constant 1 : i32
    scf.for %while3A_15 = %while3A_5 to %while3A_11 step %while3A_12  : i32 {
      %dma_start3A = arith.constant 0 : i32
      %dma_start3A_16 = tpu.memref_slice %arg7[%while3A_15, %dma_start3A] : memref<91x128xi32, #tpu.memory_space<vmem>> -> memref<1x128xi32, #tpu.memory_space<vmem>>
      %dma_start3A_17 = tpu.memref_squeeze %dma_start3A_16 : memref<1x128xi32, #tpu.memory_space<vmem>> -> memref<128xi32, #tpu.memory_space<vmem>>
      %dma_start3A_18 = arith.constant 0 : i32
      %dma_start3A_19 = arith.constant 0 : i32
      %dma_start3A_20 = tpu.memref_slice %arg2[%dma_start3A_18, %dma_start3A_19] : memref<10016x128xf32, #tpu.memory_space<hbm>> -> memref<10016x128xf32, #tpu.memory_space<hbm>>
      tpu.enqueue_indirect_dma source(%dma_start3A_20 : memref<10016x128xf32, #tpu.memory_space<hbm>>) target(%arg9 : memref<128x128xf32, #tpu.memory_space<vmem>>) offsets(%dma_start3A_17 : memref<128xi32, #tpu.memory_space<vmem>>) semaphore(%arg11 : memref<!tpu.dma_semaphore, #tpu.memory_space<semaphore_mem>>)
      %dma_wait3A = arith.constant 0 : i32
      %dma_wait3A_21 = tpu.memref_slice %arg7[%while3A_15, %dma_wait3A] : memref<91x128xi32, #tpu.memory_space<vmem>> -> memref<1x128xi32, #tpu.memory_space<vmem>>
      %dma_wait3A_22 = tpu.memref_squeeze %dma_wait3A_21 : memref<1x128xi32, #tpu.memory_space<vmem>> -> memref<128xi32, #tpu.memory_space<vmem>>
      %dma_wait3A_23 = arith.constant 0 : i32
      %dma_wait3A_24 = arith.constant 0 : i32
      %dma_wait3A_25 = tpu.memref_slice %arg2[%dma_wait3A_23, %dma_wait3A_24] : memref<10016x128xf32, #tpu.memory_space<hbm>> -> memref<10016x128xf32, #tpu.memory_space<hbm>>
      tpu.wait_indirect_dma semaphore(%arg11 : memref<!tpu.dma_semaphore, #tpu.memory_space<semaphore_mem>>) src(%dma_wait3A_25 : memref<10016x128xf32, #tpu.memory_space<hbm>>) dst(%arg9 : memref<128x128xf32, #tpu.memory_space<vmem>>)
      %dma_start3A_26 = arith.constant 0 : i32
      %dma_start3A_27 = tpu.memref_slice %arg8[%while3A_15, %dma_start3A_26] : memref<91x128xi32, #tpu.memory_space<vmem>> -> memref<1x128xi32, #tpu.memory_space<vmem>>
      %dma_start3A_28 = tpu.memref_squeeze %dma_start3A_27 : memref<1x128xi32, #tpu.memory_space<vmem>> -> memref<128xi32, #tpu.memory_space<vmem>>
      %dma_start3A_29 = arith.constant 0 : i32
      %dma_start3A_30 = arith.constant 0 : i32
      %dma_start3A_31 = tpu.memref_slice %arg10[%dma_start3A_29, %dma_start3A_30] : memref<5120x128xf32, #tpu.memory_space<vmem_shared>> -> memref<5120x128xf32, #tpu.memory_space<vmem_shared>>
      tpu.enqueue_indirect_dma source(%arg9 : memref<128x128xf32, #tpu.memory_space<vmem>>) target(%dma_start3A_31 : memref<5120x128xf32, #tpu.memory_space<vmem_shared>>) offsets(%dma_start3A_28 : memref<128xi32, #tpu.memory_space<vmem>>) semaphore(%arg12 : memref<!tpu.dma_semaphore, #tpu.memory_space<semaphore_mem>>) {add = true}
      %dma_wait3A_32 = arith.constant 0 : i32
      %dma_wait3A_33 = tpu.memref_slice %arg8[%while3A_15, %dma_wait3A_32] : memref<91x128xi32, #tpu.memory_space<vmem>> -> memref<1x128xi32, #tpu.memory_space<vmem>>
      %dma_wait3A_34 = tpu.memref_squeeze %dma_wait3A_33 : memref<1x128xi32, #tpu.memory_space<vmem>> -> memref<128xi32, #tpu.memory_space<vmem>>
      %dma_wait3A_35 = arith.constant 0 : i32
      %dma_wait3A_36 = arith.constant 0 : i32
      %dma_wait3A_37 = tpu.memref_slice %arg10[%dma_wait3A_35, %dma_wait3A_36] : memref<5120x128xf32, #tpu.memory_space<vmem_shared>> -> memref<5120x128xf32, #tpu.memory_space<vmem_shared>>
      tpu.wait_indirect_dma semaphore(%arg12 : memref<!tpu.dma_semaphore, #tpu.memory_space<semaphore_mem>>) src(%arg9 : memref<128x128xf32, #tpu.memory_space<vmem>>) dst(%dma_wait3A_37 : memref<5120x128xf32, #tpu.memory_space<vmem_shared>>)
    }
    %while3A_13 = arith.constant 1 : i32
    scf.for %while3A_15 = %while3A_11 to %while3A_7 step %while3A_13  : i32 {
      %dma_start3A = arith.constant 0 : i32
      %dma_start3A_16 = tpu.memref_slice %arg7[%while3A_15, %dma_start3A] : memref<91x128xi32, #tpu.memory_space<vmem>> -> memref<1x128xi32, #tpu.memory_space<vmem>>
      %dma_start3A_17 = tpu.memref_squeeze %dma_start3A_16 : memref<1x128xi32, #tpu.memory_space<vmem>> -> memref<128xi32, #tpu.memory_space<vmem>>
      %dma_start3A_18 = arith.constant 0 : i32
      %dma_start3A_19 = arith.constant 0 : i32
      %dma_start3A_20 = tpu.memref_slice %arg2[%dma_start3A_18, %dma_start3A_19] : memref<10016x128xf32, #tpu.memory_space<hbm>> -> memref<10016x128xf32, #tpu.memory_space<hbm>>
      tpu.enqueue_indirect_dma source(%dma_start3A_20 : memref<10016x128xf32, #tpu.memory_space<hbm>>) target(%arg9 : memref<128x128xf32, #tpu.memory_space<vmem>>) offsets(%dma_start3A_17 : memref<128xi32, #tpu.memory_space<vmem>>) semaphore(%arg11 : memref<!tpu.dma_semaphore, #tpu.memory_space<semaphore_mem>>)
      %dma_wait3A = arith.constant 0 : i32
      %dma_wait3A_21 = tpu.memref_slice %arg7[%while3A_15, %dma_wait3A] : memref<91x128xi32, #tpu.memory_space<vmem>> -> memref<1x128xi32, #tpu.memory_space<vmem>>
      %dma_wait3A_22 = tpu.memref_squeeze %dma_wait3A_21 : memref<1x128xi32, #tpu.memory_space<vmem>> -> memref<128xi32, #tpu.memory_space<vmem>>
      %dma_wait3A_23 = arith.constant 0 : i32
      %dma_wait3A_24 = arith.constant 0 : i32
      %dma_wait3A_25 = tpu.memref_slice %arg2[%dma_wait3A_23, %dma_wait3A_24] : memref<10016x128xf32, #tpu.memory_space<hbm>> -> memref<10016x128xf32, #tpu.memory_space<hbm>>
      tpu.wait_indirect_dma semaphore(%arg11 : memref<!tpu.dma_semaphore, #tpu.memory_space<semaphore_mem>>) src(%dma_wait3A_25 : memref<10016x128xf32, #tpu.memory_space<hbm>>) dst(%arg9 : memref<128x128xf32, #tpu.memory_space<vmem>>)
      %dma_start3A_26 = arith.constant 0 : i32
      %dma_start3A_27 = tpu.memref_slice %arg8[%while3A_15, %dma_start3A_26] : memref<91x128xi32, #tpu.memory_space<vmem>> -> memref<1x128xi32, #tpu.memory_space<vmem>>
      %dma_start3A_28 = tpu.memref_squeeze %dma_start3A_27 : memref<1x128xi32, #tpu.memory_space<vmem>> -> memref<128xi32, #tpu.memory_space<vmem>>
      %dma_start3A_29 = arith.constant 0 : i32
      %dma_start3A_30 = arith.constant 0 : i32
      %dma_start3A_31 = tpu.memref_slice %arg10[%dma_start3A_29, %dma_start3A_30] : memref<5120x128xf32, #tpu.memory_space<vmem_shared>> -> memref<5120x128xf32, #tpu.memory_space<vmem_shared>>
      tpu.enqueue_indirect_dma source(%arg9 : memref<128x128xf32, #tpu.memory_space<vmem>>) target(%dma_start3A_31 : memref<5120x128xf32, #tpu.memory_space<vmem_shared>>) offsets(%dma_start3A_28 : memref<128xi32, #tpu.memory_space<vmem>>) semaphore(%arg12 : memref<!tpu.dma_semaphore, #tpu.memory_space<semaphore_mem>>) {add = true}
      %dma_wait3A_32 = arith.constant 0 : i32
      %dma_wait3A_33 = tpu.memref_slice %arg8[%while3A_15, %dma_wait3A_32] : memref<91x128xi32, #tpu.memory_space<vmem>> -> memref<1x128xi32, #tpu.memory_space<vmem>>
      %dma_wait3A_34 = tpu.memref_squeeze %dma_wait3A_33 : memref<1x128xi32, #tpu.memory_space<vmem>> -> memref<128xi32, #tpu.memory_space<vmem>>
      %dma_wait3A_35 = arith.constant 0 : i32
      %dma_wait3A_36 = arith.constant 0 : i32
      %dma_wait3A_37 = tpu.memref_slice %arg10[%dma_wait3A_35, %dma_wait3A_36] : memref<5120x128xf32, #tpu.memory_space<vmem_shared>> -> memref<5120x128xf32, #tpu.memory_space<vmem_shared>>
      tpu.wait_indirect_dma semaphore(%arg12 : memref<!tpu.dma_semaphore, #tpu.memory_space<semaphore_mem>>) src(%arg9 : memref<128x128xf32, #tpu.memory_space<vmem>>) dst(%dma_wait3A_37 : memref<5120x128xf32, #tpu.memory_space<vmem_shared>>)
    }
    %barrier3A_14 = arith.constant 0 : index
    tpu.barrier barrier_id(%barrier3A_14)
    "tpu.region"() ({
      %run_scoped3A = tpu.sem_alloc : memref<!tpu.dma_semaphore, #tpu.memory_space<semaphore_mem>>
      %dma_start3A = arith.constant 0 : i32
      %dma_start3A_15 = tpu.memref_slice %arg6[%arg0, %mul3A_2, %dma_start3A] : memref<2x5120x128xf32, #tpu.memory_space<hbm>> -> memref<1x320x128xf32, #tpu.memory_space<hbm>>
      %dma_start3A_16 = tpu.memref_squeeze %dma_start3A_15 : memref<1x320x128xf32, #tpu.memory_space<hbm>> -> memref<320x128xf32, #tpu.memory_space<hbm>>
      %dma_start3A_17 = arith.constant 0 : i32
      %dma_start3A_18 = tpu.memref_slice %arg10[%mul3A_2, %dma_start3A_17] : memref<5120x128xf32, #tpu.memory_space<vmem_shared>> -> memref<320x128xf32, #tpu.memory_space<vmem_shared>>
      tpu.enqueue_dma source(%dma_start3A_18 : memref<320x128xf32, #tpu.memory_space<vmem_shared>>) target(%dma_start3A_16 : memref<320x128xf32, #tpu.memory_space<hbm>>) target_semaphore(%run_scoped3A : memref<!tpu.dma_semaphore, #tpu.memory_space<semaphore_mem>>)
      %dma_wait3A = arith.constant 0 : i32
      %dma_wait3A_19 = tpu.memref_slice %arg6[%arg0, %mul3A_2, %dma_wait3A] : memref<2x5120x128xf32, #tpu.memory_space<hbm>> -> memref<1x320x128xf32, #tpu.memory_space<hbm>>
      %dma_wait3A_20 = tpu.memref_squeeze %dma_wait3A_19 : memref<1x320x128xf32, #tpu.memory_space<hbm>> -> memref<320x128xf32, #tpu.memory_space<hbm>>
      %dma_wait3A_21 = arith.constant 0 : i32
      %dma_wait3A_22 = tpu.memref_slice %arg10[%mul3A_2, %dma_wait3A_21] : memref<5120x128xf32, #tpu.memory_space<vmem_shared>> -> memref<320x128xf32, #tpu.memory_space<vmem_shared>>
      tpu.wait_dma2 semaphore(%run_scoped3A : memref<!tpu.dma_semaphore, #tpu.memory_space<semaphore_mem>>) src(%dma_wait3A_22 : memref<320x128xf32, #tpu.memory_space<vmem_shared>>) dst(%dma_wait3A_20 : memref<320x128xf32, #tpu.memory_space<hbm>>)
      tpu.yield
    }) : () -> ()
    return
  }
}

module attributes {stable_mosaic.version = 14 : i64} {
  func.func @_dense_mid(%arg0: memref<2x5120x128xf32, #tpu.memory_space<vmem>>, %arg1: memref<128x128xf32, #tpu.memory_space<vmem>>, %arg2: memref<1x128xf32, #tpu.memory_space<vmem>>, %arg3: memref<128x128xf32, #tpu.memory_space<vmem>>, %arg4: memref<1x128xf32, #tpu.memory_space<vmem>>, %arg5: memref<5120x1xf32, #tpu.memory_space<vmem>>, %arg6: memref<5120x128xf32, #tpu.memory_space<vmem>>) attributes {dimension_semantics = [], scalar_prefetch = 0 : i64, scratch_operands = 0 : i64, tpu.core_type = #tpu.core_type<tc>} {
    %get3A = arith.constant 0 : index
    %get3A_0 = arith.constant 0 : index
    %get3A_1 = arith.constant 0 : index
    %get3A_2 = vector.load %arg0[%get3A, %get3A_0, %get3A_1] : memref<2x5120x128xf32, #tpu.memory_space<vmem>>, vector<1x5120x128xf32>
    %get3A_3 = vector.shape_cast %get3A_2 : vector<1x5120x128xf32> to vector<5120x128xf32>
    %get3A_4 = arith.constant 1 : index
    %get3A_5 = arith.constant 0 : index
    %get3A_6 = arith.constant 0 : index
    %get3A_7 = vector.load %arg0[%get3A_4, %get3A_5, %get3A_6] : memref<2x5120x128xf32, #tpu.memory_space<vmem>>, vector<1x5120x128xf32>
    %get3A_8 = vector.shape_cast %get3A_7 : vector<1x5120x128xf32> to vector<5120x128xf32>
    %add3A = arith.addf %get3A_3, %get3A_8 : vector<5120x128xf32>
    %get3A_9 = arith.constant 0 : index
    %get3A_10 = arith.constant 0 : index
    %get3A_11 = vector.load %arg1[%get3A_9, %get3A_10] : memref<128x128xf32, #tpu.memory_space<vmem>>, vector<128x128xf32>
    %dot_general3A = arith.constant dense<0.000000e+00> : vector<5120x128xf32>
    %dot_general3A_12 = tpu.matmul %add3A, %get3A_11, %dot_general3A {dimension_numbers = #tpu.dot_dimension_numbers<[1], [0], [0], [1], [0, 0, 1, 1], [], []>, transpose_lhs_hint = false} : vector<5120x128xf32>, vector<128x128xf32>, vector<5120x128xf32> -> vector<5120x128xf32>
    %get3A_13 = arith.constant 0 : index
    %get3A_14 = arith.constant 0 : index
    %get3A_15 = vector.load %arg2[%get3A_13, %get3A_14] : memref<1x128xf32, #tpu.memory_space<vmem>>, vector<1x128xf32>
    %add3A_16 = vector.broadcast %get3A_15 : vector<1x128xf32> to vector<5120x128xf32>
    %add3A_17 = arith.addf %dot_general3A_12, %add3A_16 : vector<5120x128xf32>
    %max3A = arith.constant 0.000000e+00 : f32
    %max3A_18 = vector.broadcast %max3A : f32 to vector<5120x128xf32>
    %max3A_19 = arith.maximumf %add3A_17, %max3A_18 : vector<5120x128xf32>
    %get3A_20 = arith.constant 0 : index
    %get3A_21 = arith.constant 0 : index
    %get3A_22 = vector.load %arg3[%get3A_20, %get3A_21] : memref<128x128xf32, #tpu.memory_space<vmem>>, vector<128x128xf32>
    %dot_general3A_23 = arith.constant dense<0.000000e+00> : vector<5120x128xf32>
    %dot_general3A_24 = tpu.matmul %max3A_19, %get3A_22, %dot_general3A_23 {dimension_numbers = #tpu.dot_dimension_numbers<[1], [0], [0], [1], [0, 0, 1, 1], [], []>, transpose_lhs_hint = false} : vector<5120x128xf32>, vector<128x128xf32>, vector<5120x128xf32> -> vector<5120x128xf32>
    %get3A_25 = arith.constant 0 : index
    %get3A_26 = arith.constant 0 : index
    %get3A_27 = vector.load %arg5[%get3A_25, %get3A_26] : memref<5120x1xf32, #tpu.memory_space<vmem>>, vector<5120x1xf32>
    %get3A_28 = arith.constant 0 : index
    %get3A_29 = arith.constant 0 : index
    %get3A_30 = vector.load %arg4[%get3A_28, %get3A_29] : memref<1x128xf32, #tpu.memory_space<vmem>>, vector<1x128xf32>
    %mul3A = vector.broadcast %get3A_27 : vector<5120x1xf32> to vector<5120x128xf32>
    %mul3A_31 = vector.broadcast %get3A_30 : vector<1x128xf32> to vector<5120x128xf32>
    %mul3A_32 = arith.mulf %mul3A, %mul3A_31 : vector<5120x128xf32>
    %add3A_33 = arith.addf %dot_general3A_24, %mul3A_32 : vector<5120x128xf32>
    %swap3A = arith.constant 0 : index
    %swap3A_34 = arith.constant 0 : index
    %swap3A_35 = vector.load %arg6[%swap3A, %swap3A_34] : memref<5120x128xf32, #tpu.memory_space<vmem>>, vector<5120x128xf32>
    tpu.vector_store %arg6[%swap3A, %swap3A_34], %add3A_33 {strides = array<i32>} : memref<5120x128xf32, #tpu.memory_space<vmem>>, vector<5120x128xf32>,
    return
  }
}

module attributes {stable_mosaic.version = 14 : i64} {
  func.func @_dense_out(%arg0: memref<2x10112x128xf32, #tpu.memory_space<vmem>>, %arg1: memref<1x128xf32, #tpu.memory_space<vmem>>, %arg2: memref<10000x128xf32, #tpu.memory_space<vmem>>) attributes {dimension_semantics = [], scalar_prefetch = 0 : i64, scratch_operands = 0 : i64, tpu.core_type = #tpu.core_type<tc>} {
    %get3A = arith.constant 0 : index
    %get3A_0 = arith.constant 0 : index
    %get3A_1 = arith.constant 0 : index
    %get3A_2 = vector.load %arg0[%get3A, %get3A_0, %get3A_1] : memref<2x10112x128xf32, #tpu.memory_space<vmem>>, vector<1x10000x128xf32>
    %get3A_3 = vector.shape_cast %get3A_2 : vector<1x10000x128xf32> to vector<10000x128xf32>
    %get3A_4 = arith.constant 1 : index
    %get3A_5 = arith.constant 0 : index
    %get3A_6 = arith.constant 0 : index
    %get3A_7 = vector.load %arg0[%get3A_4, %get3A_5, %get3A_6] : memref<2x10112x128xf32, #tpu.memory_space<vmem>>, vector<1x10000x128xf32>
    %get3A_8 = vector.shape_cast %get3A_7 : vector<1x10000x128xf32> to vector<10000x128xf32>
    %add3A = arith.addf %get3A_3, %get3A_8 : vector<10000x128xf32>
    %get3A_9 = arith.constant 0 : index
    %get3A_10 = arith.constant 0 : index
    %get3A_11 = vector.load %arg1[%get3A_9, %get3A_10] : memref<1x128xf32, #tpu.memory_space<vmem>>, vector<1x128xf32>
    %add3A_12 = vector.broadcast %get3A_11 : vector<1x128xf32> to vector<10000x128xf32>
    %add3A_13 = arith.addf %add3A, %add3A_12 : vector<10000x128xf32>
    %max3A = arith.constant 0.000000e+00 : f32
    %max3A_14 = vector.broadcast %max3A : f32 to vector<10000x128xf32>
    %max3A_15 = arith.maximumf %add3A_13, %max3A_14 : vector<10000x128xf32>
    %swap3A = arith.constant 0 : index
    %swap3A_16 = arith.constant 0 : index
    %swap3A_17 = vector.load %arg2[%swap3A, %swap3A_16] : memref<10000x128xf32, #tpu.memory_space<vmem>>, vector<10000x128xf32>
    tpu.vector_store %arg2[%swap3A, %swap3A_16], %max3A_15 {strides = array<i32>} : memref<10000x128xf32, #tpu.memory_space<vmem>>, vector<10000x128xf32>,
    return
  }
}

</mosaic_0001>

<sc_bundles>
// kernel: kernel.6.cloned.1.call-start
scs
__scs_entry_jumppad:
0x0: {  	(pc) =	sbr.rel $0x88, $3  }
0x1: {  	(tag) =	ssettag $0x0;
	lr =	simm.s32 $0x1  }
0x2: {  	[smem:$0x3F99] =	sst lr;
	_ =	strace $0xD0000000  }
0x3: {  	_ = 	snop  }
0x4: {  	_ = 	snop  }
0x5: {  	_ = 	snop  }
0x6: {  	_ = 	snop  }
0x7: {  	_ = 	snop  }
__scs_overlays_trampoline_lowered:
0x8: {  	[smem:$0x3FA8] =	sst s0  }
0x9: {  	[smem:$0x3FA9] =	sst s1  }
0xa: {  	[smem:$0x3FAA] =	sst s2  }
0xb: {  	[smem:$0x3FAB] =	sst s3  }
0xc: {  	[smem:$0x3FAC] =	sst s4  }
0xd: {  	[smem:$0x3FAD] =	sst s5  }
0xe: {  	[smem:$0x3FAE] =	sst s6  }
0xf: {  	[smem:$0x3FAF] =	sst s7  }
0x10: {  	[smem:$0x3FB0] =	sst s8  }
0x11: {  	[smem:$0x3FB1] =	sst s9;
	s0 =	simm.s32 @!p0 $0x0  }
0x12: {  	s1 =	sld [smem:$0x3F97];
	s0 =	simm.s32 @p0 $0x1  }
0x13: {  	[smem:$0x3FB2] =	sst s0;
	s0 =	simm.s32 @!p1 $0x0  }
0x14: {  	s2 =	sld [smem:$0x3F96];
	s0 =	simm.s32 @p1 $0x1  }
0x15: {  	[smem:$0x3FB3] =	sst s0;
	s0 =	simm.s32 @!p2 $0x0  }
0x16: {  	s3 =	sld [smem:$0x3FDB];
	s0 =	simm.s32 @p2 $0x1  }
0x17: {  	s4 =	simm.s32 $0x1BF5;
	[smem:$0x3FB5] =	sst s0  }
0x18: {  	s0 =	sld [smem:$0x3F98];
	_ =	swait.ge [sflag:s4], $0x0  }
0x19: {  	s7 =	sld [smem:$0x3F99]  }
0x1a: {  	s8 =	sadd.s32 $0xFFFFE003, lr  }
0x1b: {  	s9 =	sadd.s32 $0xFFFFFEF7, lr;
	s5 =	simm.s32 $0xFFFFFFFF;
	p2 =	slt.u32 s8, $0xFFFFF086  }
0x1c: {  	p1 =	slt.u32 s9, $0xF7A;
	s5 =	simm.s32 @!p2 $0x0  }
0x1d: {  	s5 =	simm.s32 @p1 $0x1;
	p0 =	seq.s32 s7, s2  }
0x1e: {  	s7 =	smul.u32 @!p0 $0xF7A, s2;
	p2 =	seq.s32 @!p0 s5, $0x0  }
0x1f: {  	s9 =	smul.u32 $0xF7A, s1;
	s8 =	simm.s32 @!p0 $0x1BF5;
	p2 =	por !p2, p0  }
0x20: {  	[sflag:s8] =	ssyncset.s32 @!p0 $0xFFFFF086;
	s6 =	sadd.s32 @!p0 s3, s7;
	s7 =	simm.s32 @!p0 $0x108  }
0x21: {  	s3 =	sadd.s32 s3, s9;
	s6 =	sadd.s32 @!p0 $0x88, s6;
	s7 =	simm.s32 @p2 $0x1082  }
0x22: {  	[simem:s7], [sflag:s8] =	dma.local @!p0 [hbm:s6], $0xF7A  }
0x23: {  	s9 =	sor.u32 $0xD0000000, s2;
	s6 =	simm.s32 $0x108;
	_ =	swait.ge @!p0 [sflag:s8], $0x0  }
0x24: {  	s3 =	sadd.s32 $0x88, s3;
	s6 =	simm.s32 @!p1 $0x1082;
	[sflag:s4] =	ssyncset.s32 $0xFFFFF086  }
0x25: {  	[simem:s6], [sflag:s4] =	dma.local [hbm:s3], $0xF7A  }
0x26: {  	[smem:$0x3F99] =	sst s1;
	(tag) =	ssettag s2;
	_ =	strace s9  }
0x27: {  	s1 =	sld [smem:$0x3FA9]  }
0x28: {  	s2 =	sld [smem:$0x3FAA]  }
0x29: {  	s4 =	sld [smem:$0x3FAC]  }
0x2a: {  	p0 =	seq.s32 s5, $0x0;
	s5 =	sld [smem:$0x3FAD]  }
0x2b: {  	s6 =	sld [smem:$0x3FAE]  }
0x2c: {  	s7 =	sld [smem:$0x3FAF]  }
0x2d: {  	s3 =	simm.s32 $0x108;
	s8 =	sld [smem:$0x3FB0]  }
0x2e: {  	s3 =	simm.s32 @!p0 $0x1082;
	s9 =	sld [smem:$0x3FB1]  }
0x2f: {  	lr =	sadd.s32 s0, s3;
	s0 =	sld [smem:$0x3FA8]  }
0x30: {  	s3 =	sld [smem:$0x3FAB]  }
0x31: {  	[smem:$0x3FB4] =	sst s10  }
0x32: {  	s10 =	sld [smem:$0x3FB2];
	_ =	sdelay $0x3  }
0x33: {  	p0 =	seq.s32 s10, $0x1;
	s10 =	sld [smem:$0x3FB4];
	_ =	sdelay $0x3  }
0x34: {  	[smem:$0x3FB4] =	sst s10  }
0x35: {  	s10 =	sld [smem:$0x3FB3];
	_ =	sdelay $0x3  }
0x36: {  	p1 =	seq.s32 s10, $0x1;
	s10 =	sld [smem:$0x3FB4];
	_ =	sdelay $0x3  }
0x37: {  	[smem:$0x3FB4] =	sst s10  }
0x38: {  	s10 =	sld [smem:$0x3FB5]  }
0x39: {  	_ = 	snop;
	(pc) =	sbr.ind lr, $3  }
0x3a: {  	_ = 	snop  }
0x3b: {  	_ = 	snop  }
0x3c: {  	p2 =	seq.s32 s10, $0x1;
	s10 =	sld [smem:$0x3FB4]  }
0x3d: {  	_ =	shalt  }
0x3e: {  	_ =	shalt  }
0x3f: {  	_ =	shalt  }
0x40: {  	_ =	shalt  }
0x41: {  	_ =	shalt  }
0x42: {  	_ =	shalt  }
0x43: {  	_ =	shalt  }
0x44: {  	_ =	shalt  }
0x45: {  	_ =	shalt  }
0x46: {  	_ =	shalt  }
0x47: {  	_ =	shalt  }
0x48: {  	_ =	shalt  }
0x49: {  	_ =	shalt  }
0x4a: {  	_ =	shalt  }
0x4b: {  	_ =	shalt  }
0x4c: {  	_ =	shalt  }
0x4d: {  	_ =	shalt  }
0x4e: {  	_ =	shalt  }
0x4f: {  	_ =	shalt  }
0x50: {  	_ =	shalt  }
0x51: {  	_ =	shalt  }
0x52: {  	_ =	shalt  }
0x53: {  	_ =	shalt  }
0x54: {  	_ =	shalt  }
0x55: {  	_ =	shalt  }
0x56: {  	_ =	shalt  }
0x57: {  	_ =	shalt  }
0x58: {  	_ =	shalt  }
0x59: {  	_ =	shalt  }
0x5a: {  	_ =	shalt  }
0x5b: {  	_ =	shalt  }
0x5c: {  	_ =	shalt  }
0x5d: {  	_ =	shalt  }
0x5e: {  	_ =	shalt  }
0x5f: {  	_ =	shalt  }
0x60: {  	_ =	shalt  }
0x61: {  	_ =	shalt  }
0x62: {  	_ =	shalt  }
0x63: {  	_ =	shalt  }
0x64: {  	_ =	shalt  }
0x65: {  	_ =	shalt  }
0x66: {  	_ =	shalt  }
0x67: {  	_ =	shalt  }
0x68: {  	_ =	shalt  }
0x69: {  	_ =	shalt  }
0x6a: {  	_ =	shalt  }
0x6b: {  	_ =	shalt  }
0x6c: {  	_ =	shalt  }
0x6d: {  	_ =	shalt  }
0x6e: {  	_ =	shalt  }
0x6f: {  	_ =	shalt  }
0x70: {  	_ =	shalt  }
0x71: {  	_ =	shalt  }
0x72: {  	_ =	shalt  }
0x73: {  	_ =	shalt  }
0x74: {  	_ =	shalt  }
0x75: {  	_ =	shalt  }
0x76: {  	_ =	shalt  }
0x77: {  	_ =	shalt  }
0x78: {  	_ =	shalt  }
0x79: {  	_ =	shalt  }
0x7a: {  	_ =	shalt  }
0x7b: {  	_ =	shalt  }
0x7c: {  	_ =	shalt  }
0x7d: {  	_ =	shalt  }
0x7e: {  	_ =	shalt  }
0x7f: {  	_ =	shalt  }
0x80: {  	_ =	shalt  }
0x81: {  	_ =	shalt  }
0x82: {  	_ =	shalt  }
0x83: {  	_ =	shalt  }
0x84: {  	_ =	shalt  }
0x85: {  	_ =	shalt  }
0x86: {  	_ =	shalt  }
0x87: {  	_ =	shalt  }
.Lfunc_end0:
.L_simem_size_0:
called_computation_lowered:
.L_overlay_start_0:
0x88: {  	s2 =	sld [smem:$0x3FD9]  }
0x89: {  	s3 =	sld [smem:$0x3FFE];
	_ =	sdelay $0x1  }
0x8a: {  	s1 =	srdreg.scid  }
0x8b: {  	s0 =	sand.u32 $0x1, s1  }
0x8c: {  	s17 =	sshll.u32 s0, $0xA;
	s2 =	sadd.s32 s3, s2  }
0x8d: {  	s2 =	sadd.s32 s2, s17  }
0x8e: {  	[smem:$0x3FC0] =	sst s2  }
0x8f: {  	_ = 	snop  }
0x90: {  	s2 =	sld [smem:$0x3FD0];
	(tm) =	ssettm $0x1  }
0x91: {  	s18 =	sld [smem:$0x3FFB];
	_ =	sdelay $0x3  }
0x92: {  	_ =	strace s18  }
0x93: {  	s3 =	sld [smem:$0x3FFC];
	_ =	sdelay $0x3  }
0x94: {  	_ =	strace s3  }
0x95: {  	s3 =	sld [smem:$0x3FFD];
	_ =	sdelay $0x3  }
0x96: {  	_ =	strace s3  }
0x97: {  	_ =	strace $0x8FFFFFFF  }
0x98: {  	s19 =	sld [smem:$0x3FDB];
	_ =	sdelay $0x1  }
0x99: {  	s4 =	simm.s32 $_scs_section_size  }
0x9a: {  	s5 =	simm.s32 $_size__tile_overlayer_lowered;
	s6 =	simm.s32 $_tile_overlayer_lowered  }
0x9b: {  	s22 =	simm.s32 $0x1BFF;
	s21 =	sshll.u32 s6, $0x1;
	s3 =	sadd.s32 s4, s19  }
0x9c: {  	s7 =	simm.s32 $0x0;
	s20 =	sshll.u32 s5, $0x1;
	s5 =	sadd.s32 s21, s3  }
0x9d: {  	[timem:s7], [sflag:s22] =	dma.local [hbm:s5], s20  }
0x9e: {  	_ =	swait.ge [sflag:s22], s20  }
0x9f: {  	s4 =	ssub.s32 $0x0, s20;
	[sflag:s22] =	ssyncset.done $0x0  }
0xa0: {  	[sflag:s22] =	ssyncadd.s32 s4;
	_ =	sdelay $0x1  }
0xa1: {  	s23 =	simm.s32 $0x1B8B  }
0xa2: {  	_ =	swait.ge [sflag:s23], $0x1  }
0xa3: {  	[sflag:s23] =	ssyncset.done $0x0  }
0xa4: {  	s25 =	simm.s32 $0x1B8E;
	s24 =	sld [smem:$0x3FFE];
	[sflag:s23] =	ssyncadd.s32 $0xFFFFFFFF  }
0xa5: {  	s26 =	simm.s32 $execute0_lowered;
	[smem:$0x3FD2] =	sst s25  }
0xa6: {  	s5 =	sshll.u32 s26, $0x1;
	_ =	strace $0x80000046;
	[dreg:$0x1] =	wrdreg $0xFFFFFFFF  }
0xa7: {  	s28 =	simm.s32 $_size_execute0_lowered;
	s3 =	sadd.s32 s3, s5;
	[dreg:$0x0] =	wrdreg $0x0  }
0xa8: {  	s5 =	sshll.u32 s28, $0x1;
	[dreg:$0x2] =	wrdreg s3  }
0xa9: {  	[dreg:$0x3] =	wrdreg s5  }
0xaa: {  	[dreg:$0x4] =	wrdreg $0xC0  }
0xab: {  	_ =	task [dreg:s7], $0x5FFFF  }
0xac: {  	[dreg:$0x1] =	wrdreg $0xFFFFFFFF  }
0xad: {  	[dreg:$0x0] =	wrdreg $0x60  }
0xae: {  	[dreg:$0x2] =	wrdreg s24  }
0xaf: {  	[dreg:$0x3] =	wrdreg s2  }
0xb0: {  	[dreg:$0x4] =	wrdreg $0xA0000  }
0xb1: {  	[dreg:$0x5] =	wrdreg $0x9  }
0xb2: {  	_ =	task.clear_ibuf [dreg:s7], $0x6FFFF;
	_ =	strace $0x90000046  }
0xb3: {  	s29 =	simm.s32 $0x9;
	_ =	strace $0x80000048  }
0xb4: {  	_ =	swait.ge [sflag:s29], $0x1  }
0xb5: {  	[sflag:s29] =	ssyncadd.s32 $0xFFFFFFFF  }
0xb6: {  	_ =	strace $0x90000048  }
0xb7: {  	_ =	sfence  }
0xb8: {  	s30 =	sld [smem:$0x0];
	_ =	sdelay $0x2  }
0xb9: {  	s31 =	sshll.u32 s1, $0xD;
	s1 =	sshrl.u32 s1, $0x2  }
0xba: {  	s3 =	sand.u32 $0x4000, s31;
	s1 =	sadd.s32 s1, s30  }
0xbb: {  	s0 =	sor.u32 s3, s0;
	s1 =	sshll.u32 s1, $0x11  }
0xbc: {  	s0 =	sor.u32 s1, s0  }
0xbd: {  	s0 =	sadd.s32 $0x8F2B, s0  }
0xbe: {  	[sflag:s0] =	ssyncadd.remote.s32 $0x1  }
0xbf: {  	_ =	sfence.sel $0xFFFF  }
0xc0: {  	[dreg:$0x0] =	wrdreg $0xFFFFFFFF;
	(pc) =	sbr.abs _section_cstart, $3  }
0xc1: {  	[dreg:$0x1] =	wrdreg $0xFFFFFFFF  }
0xc2: {  	_ =	task.clear_ibuf [dreg:s7], $0x2FFFF;
	_ =	strace $0x9FFFFFFF  }
0xc3: {  	(tm) =	ssettm $0x7FFFFFFF  }
tec
execute0_lowered:
.L_overlay_start_1:
0x0: {  	(tag) =	ssettag $0x1  }
0x1: {  	s5 =	rddreg [dreg:$0x0]  }
0x2: {  	s0 =	srdreg.scid;
	s9 =	rddreg [dreg:$0x1]  }
0x3: {  	s2 =	rddreg [dreg:$0x2];
	s3 =	simm.s32 $0x0;
	s16 =	simm.s32 $0x1  }
0x4: {  	s17 =	simm.s32 $0x2;
	s7 =	sand.u32 $0x1, s0;
	s0 =	stileid.u32  }
0x5: {  	s18 =	simm.s32 $0x0;
	[smem:$0x7FF] =	sst s3;
	s6 =	smul.u32 $0xA000, s0  }
0x6: {  	s1 =	sshll.u32 s7, $0x4;
	s8 =	smul.u32 $0xA0000, s7;
	s29 =	ssub.s32 $0x2, s7  }
0x7: {  	s13 =	smul.u32 $0x28000, s0;
	s31 =	sshll.u32 s0, $0x6;
	p0 =	seq.s32 s7, $0x0  }
0x8: {  	s7 =	simm.s32 $0x5B;
	s4 =	sor.u32 s0, s1;
	s1 =	rddreg [dreg:$0x3]  }
0x9: {  	_ =	strace $0x80000047;
	s14 =	sshrl.u32 s29, $0x1;
	s7 =	simm.s32 @!p0 $0x42  }
0xa: {  	s10 =	smul.u32 $0x600, s4;
	s4 =	sadd.s32 $0x3600, s5;
	s12 =	sshrl.u32 s6, $0x3  }
0xb: {  	s6 =	sadd.s32 s6, s8;
	s14 =	ssub.s32 s29, s14;
	s30 =	sshrl.u32 s13, $0x2  }
0xc: {  	s12 =	sadd.s32 s12, s5;
	s6 =	sshrl.u32 s6, $0x3;
	s13 =	sadd.s32 s30, s2  }
0xd: {  	s11 =	sadd.s32 s10, s5;
	s15 =	sadd.s32 s6, s5;
	s5 =	sadd.s32 $0x36800, s12  }
0xe: {  	s6 =	sor.u32 $0x1C03, s31;
	s9 =	sadd.s32 s9, s10;
	s12 =	sshrl.u32 s13, $0x3  }
0xf: {  	s13 =	simm.s32 $0x3;
	s8 =	sadd.s32 $0x2A800, s11;
	s10 =	sadd.s32 $0x5E000, s15  }
0x10: {  	s11 =	smax.u32 s14, $0x1;
	s14 =	simm.s32 $0x80;
	s15 =	simm.s32 $0x6000  }
.LBB2_1:
0x11: {  	[spmem:s12], [sflag:s6] =	dma.local [hbm:s5], $0x1400  }
0x12: {  	_ =	swait.ge [sflag:s13], $0x1400  }
0x13: {  	[sflag:s13] =	ssyncset.done $0x0  }
0x14: {  	[sflag:s13] =	ssyncadd.s32 $0xFFFFEC00  }
0x15: {  	[tilespmem:s3], [sflag:$0x3] =	stream.linear.gather [hbm4b:s8+s3], $0x2D80, $0x38;
	[tilespmem:$0x14000] =	vst v63  }
0x16: {  	_ =	swait.ge [sflag:s13], $0x2D80  }
0x17: {  	[sflag:s13] =	ssyncset.done $0x0  }
0x18: {  	s19 =	simm.s32 $0x3000;
	[sflag:s13] =	ssyncadd.s32 $0xFFFFD280  }
0x19: {  	[tilespmem:s19], [sflag:$0x3] =	stream.linear.gather [hbm4b:s9+s3], $0x2D80, $0x38;
	[tilespmem:$0x14000] =	vst v63  }
0x1a: {  	_ =	swait.ge [sflag:s13], $0x2D80  }
0x1b: {  	[sflag:s13] =	ssyncset.done $0x0  }
0x1c: {  	[sflag:s13] =	ssyncadd.s32 $0xFFFFD280  }
0x1d: {  	[bflag:$0x0] =	sbarrier.arrive $0xFFFF  }
0x1e: {  	[tilespmem:s15], [sflag:$0x1] =	stream.indirect.gather [hbm4b:s4+s14], $0x80, s3, s14, $0xb8;
	[tilespmem:$0x14000] =	vst v63  }
0x1f: {  	p0 =	sne.s32 s7, $0x1;
	_ =	swait.ge [sflag:s16], $0x4000  }
.Ltmp0:
0x20: {  	[sflag:s16] =	ssyncset.done $0x0;
	(pc) =	sbr.rel @!p0 .LBB2_3-.Ltmp0, $4  }
0x21: {  	[sflag:s16] =	ssyncadd.s32 $0xFFFFC000  }
0x22: {  	[spmem:s2] =	stream.indirect.scatter.add.f32 [tilespmem:s15], [sflag:$0x2], $0x80, s19, s14, $0xb8;
	[tilespmem:$0x14000] =	vst v63  }
0x23: {  	_ =	swait.ge [sflag:s17], $0x4000  }
0x24: {  	s20 =	sadd.s32 $0xFFFFFFFF, s7;
	s21 =	simm.s32 $0x0;
	[sflag:s17] =	ssyncset.done $0x0  }
.LBB2_2:
0x25: {  	[sflag:s17] =	ssyncadd.s32 $0xFFFFC000;
	s21 =	sadd.s32 $0x80, s21;
	s19 =	sadd.s32 $0x80, s19  }
0x26: {  	[tilespmem:s15], [sflag:$0x1] =	stream.indirect.gather [hbm4b:s4+s14], $0x80, s21, s14, $0xb8;
	[tilespmem:$0x14000] =	vst v63  }
0x27: {  	p0 =	sne.s32 s20, $0x1;
	s20 =	sadd.s32 $0xFFFFFFFF, s20;
	_ =	swait.ge [sflag:s16], $0x4000  }
.Ltmp1:
0x28: {  	[sflag:s16] =	ssyncset.done $0x0;
	(pc) =	sbr.rel @p0 .LBB2_2-.Ltmp1, $4  }
0x29: {  	[sflag:s16] =	ssyncadd.s32 $0xFFFFC000  }
0x2a: {  	[spmem:s2] =	stream.indirect.scatter.add.f32 [tilespmem:s15], [sflag:$0x2], $0x80, s19, s14, $0xb8;
	[tilespmem:$0x14000] =	vst v63  }
0x2b: {  	_ =	swait.ge [sflag:s17], $0x4000  }
0x2c: {  	[sflag:s17] =	ssyncset.done $0x0  }
.LBB2_3:
0x2d: {  	s18 =	sadd.s32 $0x1, s18  }
0x2e: {  	[sflag:s17] =	ssyncadd.s32 $0xFFFFC000;
	p0 =	sne.s32 s18, s11  }
.Ltmp2:
0x2f: {  	[bflag:$0x0] =	sbarrier.arrive $0xFFFF;
	(pc) =	sbr.rel @p0 .LBB2_1-.Ltmp2, $4  }
0x30: {  	[hbm:s10], [sflag:s6] =	dma.local [spmem:s12], $0x1400  }
0x31: {  	_ =	swait.ge [sflag:s13], $0x1400  }
0x32: {  	[sflag:s13] =	ssyncset.done $0x0  }
0x33: {  	[sflag:s13] =	ssyncadd.s32 $0xFFFFEC00  }
0x34: {  	_ =	sfence.sel $0x180000  }
0x35: {  	[bflag:$0x0] =	sbarrier.arrive $0xFFFF  }
0x36: {  	p0 =	sne.s32 s0, $0x0;
	_ =	strace $0x90000047  }
0x37: {  	s0 =	sadd.s32 @!p0 $0x100000, s1;
	[bflag:$0x2] =	sbarrier.arrive $0xFFFF  }
0x38: {  	[sflag:s0] =	ssyncadd.tile.s32 @!p0 $0x1;
	_ =	shalt  }
.Lfunc_end2:
_tile_overlayer_lowered:
.L_overlay_start_2:
0x39: {  	(tag) =	ssettag $0x2  }
0x3a: {  	s0 =	rddreg [dreg:$0x0];
	s2 =	stileid.u32  }
0x3b: {  	s1 =	rddreg [dreg:$0x1];
	p0 =	sne.s32 s2, $0x0  }
0x3c: {  	s3 =	rddreg [dreg:$0x2];
	[bflag:$0x3] =	sbarrier.arrive $0xFFFF;
	s2 =	simm.s32 @!p0 $0x1C03  }
0x3d: {  	[timem:s3], [sflag:s2] =	dma.local @!p0 [hbm:s0], s1  }
0x3e: {  	s0 =	simm.s32 @!p0 $0x3  }
0x3f: {  	_ =	swait.ge @!p0 [sflag:s0], s1  }
0x40: {  	s1 =	ssub.s32 @!p0 $0x0, s1;
	[sflag:s0] =	ssyncset.done @!p0 $0x0  }
0x41: {  	[sflag:s0] =	ssyncadd.s32 @!p0 s1  }
0x42: {  	[bflag:$0x3] =	sbarrier.arrive $0xFFFF  }
0x43: {  	_ =	shalt  }

// kernel: kernel.9.cloned.1.call-start
scs
__scs_entry_jumppad:
0x0: {  	(pc) =	sbr.rel $0x88, $3  }
0x1: {  	(tag) =	ssettag $0x0;
	lr =	simm.s32 $0x1  }
0x2: {  	[smem:$0x3F99] =	sst lr;
	_ =	strace $0xD0000000  }
0x3: {  	_ = 	snop  }
0x4: {  	_ = 	snop  }
0x5: {  	_ = 	snop  }
0x6: {  	_ = 	snop  }
0x7: {  	_ = 	snop  }
__scs_overlays_trampoline_lowered:
0x8: {  	[smem:$0x3FA8] =	sst s0  }
0x9: {  	[smem:$0x3FA9] =	sst s1  }
0xa: {  	[smem:$0x3FAA] =	sst s2  }
0xb: {  	[smem:$0x3FAB] =	sst s3  }
0xc: {  	[smem:$0x3FAC] =	sst s4  }
0xd: {  	[smem:$0x3FAD] =	sst s5  }
0xe: {  	[smem:$0x3FAE] =	sst s6  }
0xf: {  	[smem:$0x3FAF] =	sst s7  }
0x10: {  	[smem:$0x3FB0] =	sst s8  }
0x11: {  	[smem:$0x3FB1] =	sst s9;
	s0 =	simm.s32 @!p0 $0x0  }
0x12: {  	s1 =	sld [smem:$0x3F97];
	s0 =	simm.s32 @p0 $0x1  }
0x13: {  	[smem:$0x3FB2] =	sst s0;
	s0 =	simm.s32 @!p1 $0x0  }
0x14: {  	s2 =	sld [smem:$0x3F96];
	s0 =	simm.s32 @p1 $0x1  }
0x15: {  	[smem:$0x3FB3] =	sst s0;
	s0 =	simm.s32 @!p2 $0x0  }
0x16: {  	s3 =	sld [smem:$0x3FDB];
	s0 =	simm.s32 @p2 $0x1  }
0x17: {  	s4 =	simm.s32 $0x1BF5;
	[smem:$0x3FB5] =	sst s0  }
0x18: {  	s0 =	sld [smem:$0x3F98];
	_ =	swait.ge [sflag:s4], $0x0  }
0x19: {  	s7 =	sld [smem:$0x3F99]  }
0x1a: {  	s8 =	sadd.s32 $0xFFFFE003, lr  }
0x1b: {  	s9 =	sadd.s32 $0xFFFFFEF7, lr;
	s5 =	simm.s32 $0xFFFFFFFF;
	p2 =	slt.u32 s8, $0xFFFFF086  }
0x1c: {  	p1 =	slt.u32 s9, $0xF7A;
	s5 =	simm.s32 @!p2 $0x0  }
0x1d: {  	s5 =	simm.s32 @p1 $0x1;
	p0 =	seq.s32 s7, s2  }
0x1e: {  	s7 =	smul.u32 @!p0 $0xF7A, s2;
	p2 =	seq.s32 @!p0 s5, $0x0  }
0x1f: {  	s9 =	smul.u32 $0xF7A, s1;
	s8 =	simm.s32 @!p0 $0x1BF5;
	p2 =	por !p2, p0  }
0x20: {  	[sflag:s8] =	ssyncset.s32 @!p0 $0xFFFFF086;
	s6 =	sadd.s32 @!p0 s3, s7;
	s7 =	simm.s32 @!p0 $0x108  }
0x21: {  	s3 =	sadd.s32 s3, s9;
	s6 =	sadd.s32 @!p0 $0x88, s6;
	s7 =	simm.s32 @p2 $0x1082  }
0x22: {  	[simem:s7], [sflag:s8] =	dma.local @!p0 [hbm:s6], $0xF7A  }
0x23: {  	s9 =	sor.u32 $0xD0000000, s2;
	s6 =	simm.s32 $0x108;
	_ =	swait.ge @!p0 [sflag:s8], $0x0  }
0x24: {  	s3 =	sadd.s32 $0x88, s3;
	s6 =	simm.s32 @!p1 $0x1082;
	[sflag:s4] =	ssyncset.s32 $0xFFFFF086  }
0x25: {  	[simem:s6], [sflag:s4] =	dma.local [hbm:s3], $0xF7A  }
0x26: {  	[smem:$0x3F99] =	sst s1;
	(tag) =	ssettag s2;
	_ =	strace s9  }
0x27: {  	s1 =	sld [smem:$0x3FA9]  }
0x28: {  	s2 =	sld [smem:$0x3FAA]  }
0x29: {  	s4 =	sld [smem:$0x3FAC]  }
0x2a: {  	p0 =	seq.s32 s5, $0x0;
	s5 =	sld [smem:$0x3FAD]  }
0x2b: {  	s6 =	sld [smem:$0x3FAE]  }
0x2c: {  	s7 =	sld [smem:$0x3FAF]  }
0x2d: {  	s3 =	simm.s32 $0x108;
	s8 =	sld [smem:$0x3FB0]  }
0x2e: {  	s3 =	simm.s32 @!p0 $0x1082;
	s9 =	sld [smem:$0x3FB1]  }
0x2f: {  	lr =	sadd.s32 s0, s3;
	s0 =	sld [smem:$0x3FA8]  }
0x30: {  	s3 =	sld [smem:$0x3FAB]  }
0x31: {  	[smem:$0x3FB4] =	sst s10  }
0x32: {  	s10 =	sld [smem:$0x3FB2];
	_ =	sdelay $0x3  }
0x33: {  	p0 =	seq.s32 s10, $0x1;
	s10 =	sld [smem:$0x3FB4];
	_ =	sdelay $0x3  }
0x34: {  	[smem:$0x3FB4] =	sst s10  }
0x35: {  	s10 =	sld [smem:$0x3FB3];
	_ =	sdelay $0x3  }
0x36: {  	p1 =	seq.s32 s10, $0x1;
	s10 =	sld [smem:$0x3FB4];
	_ =	sdelay $0x3  }
0x37: {  	[smem:$0x3FB4] =	sst s10  }
0x38: {  	s10 =	sld [smem:$0x3FB5]  }
0x39: {  	_ = 	snop;
	(pc) =	sbr.ind lr, $3  }
0x3a: {  	_ = 	snop  }
0x3b: {  	_ = 	snop  }
0x3c: {  	p2 =	seq.s32 s10, $0x1;
	s10 =	sld [smem:$0x3FB4]  }
0x3d: {  	_ =	shalt  }
0x3e: {  	_ =	shalt  }
0x3f: {  	_ =	shalt  }
0x40: {  	_ =	shalt  }
0x41: {  	_ =	shalt  }
0x42: {  	_ =	shalt  }
0x43: {  	_ =	shalt  }
0x44: {  	_ =	shalt  }
0x45: {  	_ =	shalt  }
0x46: {  	_ =	shalt  }
0x47: {  	_ =	shalt  }
0x48: {  	_ =	shalt  }
0x49: {  	_ =	shalt  }
0x4a: {  	_ =	shalt  }
0x4b: {  	_ =	shalt  }
0x4c: {  	_ =	shalt  }
0x4d: {  	_ =	shalt  }
0x4e: {  	_ =	shalt  }
0x4f: {  	_ =	shalt  }
0x50: {  	_ =	shalt  }
0x51: {  	_ =	shalt  }
0x52: {  	_ =	shalt  }
0x53: {  	_ =	shalt  }
0x54: {  	_ =	shalt  }
0x55: {  	_ =	shalt  }
0x56: {  	_ =	shalt  }
0x57: {  	_ =	shalt  }
0x58: {  	_ =	shalt  }
0x59: {  	_ =	shalt  }
0x5a: {  	_ =	shalt  }
0x5b: {  	_ =	shalt  }
0x5c: {  	_ =	shalt  }
0x5d: {  	_ =	shalt  }
0x5e: {  	_ =	shalt  }
0x5f: {  	_ =	shalt  }
0x60: {  	_ =	shalt  }
0x61: {  	_ =	shalt  }
0x62: {  	_ =	shalt  }
0x63: {  	_ =	shalt  }
0x64: {  	_ =	shalt  }
0x65: {  	_ =	shalt  }
0x66: {  	_ =	shalt  }
0x67: {  	_ =	shalt  }
0x68: {  	_ =	shalt  }
0x69: {  	_ =	shalt  }
0x6a: {  	_ =	shalt  }
0x6b: {  	_ =	shalt  }
0x6c: {  	_ =	shalt  }
0x6d: {  	_ =	shalt  }
0x6e: {  	_ =	shalt  }
0x6f: {  	_ =	shalt  }
0x70: {  	_ =	shalt  }
0x71: {  	_ =	shalt  }
0x72: {  	_ =	shalt  }
0x73: {  	_ =	shalt  }
0x74: {  	_ =	shalt  }
0x75: {  	_ =	shalt  }
0x76: {  	_ =	shalt  }
0x77: {  	_ =	shalt  }
0x78: {  	_ =	shalt  }
0x79: {  	_ =	shalt  }
0x7a: {  	_ =	shalt  }
0x7b: {  	_ =	shalt  }
0x7c: {  	_ =	shalt  }
0x7d: {  	_ =	shalt  }
0x7e: {  	_ =	shalt  }
0x7f: {  	_ =	shalt  }
0x80: {  	_ =	shalt  }
0x81: {  	_ =	shalt  }
0x82: {  	_ =	shalt  }
0x83: {  	_ =	shalt  }
0x84: {  	_ =	shalt  }
0x85: {  	_ =	shalt  }
0x86: {  	_ =	shalt  }
0x87: {  	_ =	shalt  }
.Lfunc_end0:
.L_simem_size_0:
called_computation.1_lowered:
.L_overlay_start_0:
0x88: {  	s2 =	sld [smem:$0x3FD9]  }
0x89: {  	s3 =	sld [smem:$0x3FFE];
	_ =	sdelay $0x1  }
0x8a: {  	s1 =	srdreg.scid  }
0x8b: {  	s0 =	sand.u32 $0x1, s1  }
0x8c: {  	s17 =	sshll.u32 s0, $0xA;
	s2 =	sadd.s32 s3, s2  }
0x8d: {  	s2 =	sadd.s32 s2, s17  }
0x8e: {  	[smem:$0x3FC0] =	sst s2  }
0x8f: {  	_ = 	snop  }
0x90: {  	s2 =	sld [smem:$0x3FD0];
	(tm) =	ssettm $0x1  }
0x91: {  	s18 =	sld [smem:$0x3FFB];
	_ =	sdelay $0x3  }
0x92: {  	_ =	strace s18  }
0x93: {  	s3 =	sld [smem:$0x3FFC];
	_ =	sdelay $0x3  }
0x94: {  	_ =	strace s3  }
0x95: {  	s3 =	sld [smem:$0x3FFD];
	_ =	sdelay $0x3  }
0x96: {  	_ =	strace s3  }
0x97: {  	_ =	strace $0x8FFFFFFF  }
0x98: {  	s19 =	sld [smem:$0x3FDB];
	_ =	sdelay $0x1  }
0x99: {  	s4 =	simm.s32 $_scs_section_size  }
0x9a: {  	s5 =	simm.s32 $_size__tile_overlayer_lowered;
	s6 =	simm.s32 $_tile_overlayer_lowered  }
0x9b: {  	s22 =	simm.s32 $0x1BFF;
	s21 =	sshll.u32 s6, $0x1;
	s3 =	sadd.s32 s4, s19  }
0x9c: {  	s7 =	simm.s32 $0x0;
	s20 =	sshll.u32 s5, $0x1;
	s5 =	sadd.s32 s21, s3  }
0x9d: {  	[timem:s7], [sflag:s22] =	dma.local [hbm:s5], s20  }
0x9e: {  	_ =	swait.ge [sflag:s22], s20  }
0x9f: {  	s4 =	ssub.s32 $0x0, s20;
	[sflag:s22] =	ssyncset.done $0x0  }
0xa0: {  	[sflag:s22] =	ssyncadd.s32 s4;
	_ =	sdelay $0x1  }
0xa1: {  	s23 =	simm.s32 $0x1B8B  }
0xa2: {  	_ =	swait.ge [sflag:s23], $0x1  }
0xa3: {  	[sflag:s23] =	ssyncset.done $0x0  }
0xa4: {  	s25 =	simm.s32 $0x1B8E;
	s24 =	sld [smem:$0x3FFE];
	[sflag:s23] =	ssyncadd.s32 $0xFFFFFFFF  }
0xa5: {  	s26 =	simm.s32 $execute0_lowered;
	[smem:$0x3FD2] =	sst s25  }
0xa6: {  	s5 =	sshll.u32 s26, $0x1;
	_ =	strace $0x80000049;
	[dreg:$0x1] =	wrdreg $0xFFFFFFFF  }
0xa7: {  	s28 =	simm.s32 $_size_execute0_lowered;
	s3 =	sadd.s32 s3, s5;
	[dreg:$0x0] =	wrdreg $0x0  }
0xa8: {  	s5 =	sshll.u32 s28, $0x1;
	[dreg:$0x2] =	wrdreg s3  }
0xa9: {  	[dreg:$0x3] =	wrdreg s5  }
0xaa: {  	[dreg:$0x4] =	wrdreg $0xC0  }
0xab: {  	_ =	task [dreg:s7], $0x5FFFF  }
0xac: {  	[dreg:$0x1] =	wrdreg $0xFFFFFFFF  }
0xad: {  	[dreg:$0x0] =	wrdreg $0x60  }
0xae: {  	[dreg:$0x2] =	wrdreg s2  }
0xaf: {  	[dreg:$0x3] =	wrdreg s24  }
0xb0: {  	[dreg:$0x4] =	wrdreg $0xA8000  }
0xb1: {  	[dreg:$0x5] =	wrdreg $0x9  }
0xb2: {  	_ =	task.clear_ibuf [dreg:s7], $0x6FFFF;
	_ =	strace $0x90000049  }
0xb3: {  	s29 =	simm.s32 $0x9;
	_ =	strace $0x8000004B  }
0xb4: {  	_ =	swait.ge [sflag:s29], $0x1  }
0xb5: {  	[sflag:s29] =	ssyncadd.s32 $0xFFFFFFFF  }
0xb6: {  	_ =	strace $0x9000004B  }
0xb7: {  	_ =	sfence  }
0xb8: {  	s30 =	sld [smem:$0x0];
	_ =	sdelay $0x2  }
0xb9: {  	s31 =	sshll.u32 s1, $0xD;
	s1 =	sshrl.u32 s1, $0x2  }
0xba: {  	s3 =	sand.u32 $0x4000, s31;
	s1 =	sadd.s32 s1, s30  }
0xbb: {  	s0 =	sor.u32 s3, s0;
	s1 =	sshll.u32 s1, $0x11  }
0xbc: {  	s0 =	sor.u32 s1, s0  }
0xbd: {  	s0 =	sadd.s32 $0x8F2B, s0  }
0xbe: {  	[sflag:s0] =	ssyncadd.remote.s32 $0x1  }
0xbf: {  	_ =	sfence.sel $0xFFFF  }
0xc0: {  	[dreg:$0x0] =	wrdreg $0xFFFFFFFF;
	(pc) =	sbr.abs _section_cstart, $3  }
0xc1: {  	[dreg:$0x1] =	wrdreg $0xFFFFFFFF  }
0xc2: {  	_ =	task.clear_ibuf [dreg:s7], $0x2FFFF;
	_ =	strace $0x9FFFFFFF  }
0xc3: {  	(tm) =	ssettm $0x7FFFFFFF  }
tec
execute0_lowered:
.L_overlay_start_1:
0x0: {  	(tag) =	ssettag $0x1  }
0x1: {  	s1 =	rddreg [dreg:$0x0]  }
0x2: {  	s5 =	rddreg [dreg:$0x1]  }
0x3: {  	s0 =	srdreg.scid;
	s3 =	rddreg [dreg:$0x2];
	s4 =	simm.s32 $0x0  }
0x4: {  	s15 =	simm.s32 $0x6800;
	s7 =	sand.u32 $0x1, s0;
	s0 =	stileid.u32  }
0x5: {  	s16 =	simm.s32 $0x1;
	s17 =	simm.s32 $0x2;
	s8 =	smul.u32 $0x13C00, s0  }
0x6: {  	s18 =	simm.s32 $0x0;
	[smem:$0x7FF] =	sst s4;
	s9 =	smul.u32 $0x13C000, s7  }
0x7: {  	s2 =	sshll.u32 s7, $0x4;
	s29 =	ssub.s32 $0x2, s7;
	s11 =	smul.u32 $0x4F000, s0  }
0x8: {  	s31 =	sshll.u32 s0, $0x6;
	p0 =	seq.s32 s7, $0x0;
	s7 =	simm.s32 $0x61  }
0x9: {  	s2 =	sor.u32 s0, s2;
	s12 =	sshrl.u32 s29, $0x1;
	s7 =	simm.s32 @!p0 $0x3C  }
0xa: {  	s6 =	smul.u32 $0x680, s2;
	s2 =	rddreg [dreg:$0x3];
	_ =	strace $0x8000004A  }
0xb: {  	s28 =	sshrl.u32 s8, $0x3;
	s8 =	sadd.s32 s8, s9;
	s30 =	sshrl.u32 s11, $0x2  }
0xc: {  	s12 =	ssub.s32 s29, s12;
	s8 =	sshrl.u32 s8, $0x3;
	s14 =	sadd.s32 s30, s3  }
0xd: {  	s11 =	smax.u32 s12, $0x1;
	s10 =	sadd.s32 s6, s5;
	s6 =	sadd.s32 s28, s5  }
0xe: {  	s13 =	sadd.s32 s8, s5;
	s12 =	sshrl.u32 s14, $0x3;
	s14 =	simm.s32 $0x80  }
0xf: {  	s5 =	sadd.s32 $0x36800, s6;
	s6 =	sor.u32 $0x1C03, s31;
	s8 =	sadd.s32 $0x93000, s10  }
0x10: {  	s9 =	sadd.s32 $0x86000, s10;
	s10 =	sadd.s32 $0xA0000, s13;
	s13 =	simm.s32 $0x3  }
.LBB2_1:
0x11: {  	[spmem:s12], [sflag:s6] =	dma.local [hbm:s5], $0x2780  }
0x12: {  	_ =	swait.ge [sflag:s13], $0x2780  }
0x13: {  	[sflag:s13] =	ssyncset.done $0x0  }
0x14: {  	[sflag:s13] =	ssyncadd.s32 $0xFFFFD880  }
0x15: {  	[tilespmem:s4], [sflag:$0x3] =	stream.linear.gather [hbm4b:s8+s4], $0x3080, $0x38;
	[tilespmem:$0x1E400] =	vst v63  }
0x16: {  	_ =	swait.ge [sflag:s13], $0x3080  }
0x17: {  	[sflag:s13] =	ssyncset.done $0x0  }
0x18: {  	s19 =	simm.s32 $0x3400;
	[sflag:s13] =	ssyncadd.s32 $0xFFFFCF80  }
0x19: {  	[tilespmem:s19], [sflag:$0x3] =	stream.linear.gather [hbm4b:s9+s4], $0x3080, $0x38;
	[tilespmem:$0x1E400] =	vst v63  }
0x1a: {  	_ =	swait.ge [sflag:s13], $0x3080  }
0x1b: {  	[sflag:s13] =	ssyncset.done $0x0  }
0x1c: {  	[sflag:s13] =	ssyncadd.s32 $0xFFFFCF80  }
0x1d: {  	[bflag:$0x0] =	sbarrier.arrive $0xFFFF  }
0x1e: {  	[tilespmem:s15], [sflag:$0x1] =	stream.indirect.gather [hbm4b:s1+s14], $0x80, s4, s14, $0xb8;
	[tilespmem:$0x1E400] =	vst v63  }
0x1f: {  	p0 =	sne.s32 s7, $0x1;
	_ =	swait.ge [sflag:s16], $0x4000  }
.Ltmp0:
0x20: {  	[sflag:s16] =	ssyncset.done $0x0;
	(pc) =	sbr.rel @!p0 .LBB2_3-.Ltmp0, $4  }
0x21: {  	[sflag:s16] =	ssyncadd.s32 $0xFFFFC000  }
0x22: {  	[spmem:s3] =	stream.indirect.scatter.add.f32 [tilespmem:s15], [sflag:$0x2], $0x80, s19, s14, $0xb8;
	[tilespmem:$0x1E400] =	vst v63  }
0x23: {  	_ =	swait.ge [sflag:s17], $0x4000  }
0x24: {  	s20 =	sadd.s32 $0xFFFFFFFF, s7;
	s21 =	simm.s32 $0x0;
	[sflag:s17] =	ssyncset.done $0x0  }
.LBB2_2:
0x25: {  	[sflag:s17] =	ssyncadd.s32 $0xFFFFC000;
	s21 =	sadd.s32 $0x80, s21;
	s19 =	sadd.s32 $0x80, s19  }
0x26: {  	[tilespmem:s15], [sflag:$0x1] =	stream.indirect.gather [hbm4b:s1+s14], $0x80, s21, s14, $0xb8;
	[tilespmem:$0x1E400] =	vst v63  }
0x27: {  	p0 =	sne.s32 s20, $0x1;
	s20 =	sadd.s32 $0xFFFFFFFF, s20;
	_ =	swait.ge [sflag:s16], $0x4000  }
.Ltmp1:
0x28: {  	[sflag:s16] =	ssyncset.done $0x0;
	(pc) =	sbr.rel @p0 .LBB2_2-.Ltmp1, $4  }
0x29: {  	[sflag:s16] =	ssyncadd.s32 $0xFFFFC000  }
0x2a: {  	[spmem:s3] =	stream.indirect.scatter.add.f32 [tilespmem:s15], [sflag:$0x2], $0x80, s19, s14, $0xb8;
	[tilespmem:$0x1E400] =	vst v63  }
0x2b: {  	_ =	swait.ge [sflag:s17], $0x4000  }
0x2c: {  	[sflag:s17] =	ssyncset.done $0x0  }
.LBB2_3:
0x2d: {  	s18 =	sadd.s32 $0x1, s18  }
0x2e: {  	[sflag:s17] =	ssyncadd.s32 $0xFFFFC000;
	p0 =	sne.s32 s18, s11  }
.Ltmp2:
0x2f: {  	[bflag:$0x0] =	sbarrier.arrive $0xFFFF;
	(pc) =	sbr.rel @p0 .LBB2_1-.Ltmp2, $4  }
0x30: {  	[hbm:s10], [sflag:s6] =	dma.local [spmem:s12], $0x2780  }
0x31: {  	_ =	swait.ge [sflag:s13], $0x2780  }
0x32: {  	[sflag:s13] =	ssyncset.done $0x0  }
0x33: {  	[sflag:s13] =	ssyncadd.s32 $0xFFFFD880  }
0x34: {  	_ =	sfence.sel $0x180000  }
0x35: {  	[bflag:$0x0] =	sbarrier.arrive $0xFFFF  }
0x36: {  	p0 =	sne.s32 s0, $0x0;
	_ =	strace $0x9000004A  }
0x37: {  	s0 =	sadd.s32 @!p0 $0x100000, s2;
	[bflag:$0x2] =	sbarrier.arrive $0xFFFF  }
0x38: {  	[sflag:s0] =	ssyncadd.tile.s32 @!p0 $0x1;
	_ =	shalt  }
.Lfunc_end2:
_tile_overlayer_lowered:
.L_overlay_start_2:
0x39: {  	(tag) =	ssettag $0x2  }
0x3a: {  	s0 =	rddreg [dreg:$0x0];
	s2 =	stileid.u32  }
0x3b: {  	s1 =	rddreg [dreg:$0x1];
	p0 =	sne.s32 s2, $0x0  }
0x3c: {  	s3 =	rddreg [dreg:$0x2];
	[bflag:$0x3] =	sbarrier.arrive $0xFFFF;
	s2 =	simm.s32 @!p0 $0x1C03  }
0x3d: {  	[timem:s3], [sflag:s2] =	dma.local @!p0 [hbm:s0], s1  }
0x3e: {  	s0 =	simm.s32 @!p0 $0x3  }
0x3f: {  	_ =	swait.ge @!p0 [sflag:s0], s1  }
0x40: {  	s1 =	ssub.s32 @!p0 $0x0, s1;
	[sflag:s0] =	ssyncset.done @!p0 $0x0  }
0x41: {  	[sflag:s0] =	ssyncadd.s32 @!p0 s1  }
0x42: {  	[bflag:$0x3] =	sbarrier.arrive $0xFFFF  }
0x43: {  	_ =	shalt  }

</sc_bundles>
